<compile_context>
chip_gen: v7x
topology: tpu7x:2x2x1
jax: 0.10.2.dev20260603
libtpu: 0.0.44.dev20260713+nightly
codegen_flags: <defaults>
</compile_context>

<pallas_src>
import functools

import jax
import jax.numpy as jnp
from jax import lax
from jax.experimental import pallas as pl
from jax.experimental.pallas import tpu as pltpu
from jax.experimental.pallas import tpu_sc as plsc

D = 32
B = 16384
NC = 2
NS = 16
NW = NC * NS
B_PER_W = B // NW
CHUNK = 128
NCHUNK = B_PER_W // CHUNK
L = 16

_mesh = plsc.VectorSubcoreMesh(core_axis_name="c", subcore_axis_name="s")


@functools.partial(
    pl.kernel,
    mesh=_mesh,
    out_type=jax.ShapeDtypeStruct((NW, NCHUNK, CHUNK, D), jnp.float32),
    scratch_types=[
        pltpu.VMEM((NCHUNK, CHUNK), jnp.int32),
        pltpu.VMEM((NCHUNK, CHUNK), jnp.int32),
        pltpu.VMEM((NCHUNK, CHUNK, D), jnp.float32),
        pltpu.SemaphoreType.DMA,
    ],
    compiler_params=pltpu.CompilerParams(use_tc_tiling_on_sc=False,
                                         needs_layout_passes=False),
)
def _sc_gather(idx_hbm, table_hbm, out_hbm, idx_v, idx_v2, rows_v, sem):
    wid = lax.axis_index("s") * NC + lax.axis_index("c")

    neg1 = jnp.full((L,), -1, jnp.int32)
    one = jnp.full((L,), 1, jnp.int32)
    zero = jnp.zeros((L,), jnp.int32)

    def _idx_verified(carry):
        pltpu.sync_copy(idx_hbm.at[wid], idx_v)
        for c in range(NCHUNK):
            for g in range(CHUNK // L):
                idx_v2[c, pl.ds(g * L, L)] = neg1
        pltpu.sync_copy(idx_hbm.at[wid], idx_v2)
        mism = zero
        for c in range(NCHUNK):
            for g in range(CHUNK // L):
                a = idx_v[c, pl.ds(g * L, L)]
                b = idx_v2[c, pl.ds(g * L, L)]
                mism = mism | jnp.where(a != b, one, zero)
        return jnp.max(mism)

    lax.while_loop(lambda m: m != 0, lambda m: _idx_verified(m),
                   _idx_verified(jnp.int32(0)))

    copies = []
    for c in range(NCHUNK):
        copies.append(
            pltpu.async_copy(table_hbm.at[idx_v.at[c]], rows_v.at[c], sem)
        )
    for cp in copies:
        cp.wait()
    pltpu.sync_copy(rows_v, out_hbm.at[wid])


def kernel(storm_names, storm_embed_weight):
    idx = storm_names.astype(jnp.int32).reshape(NW, NCHUNK, CHUNK)
    out = _sc_gather(idx, storm_embed_weight)
    return out.reshape(B, D)

# --- scband reference (transcript-rebuilt; emitter-appended) ---
"""Pipeline reference for scband-storm-encoding-32126355374113 (READ-ONLY COPY).

The authoritative reference and input builder live on the scoring server;
editing this copy changes nothing except your own understanding.
"""

import jax, jax.numpy as jnp
import numpy as np

MAX_STORMS = 1000000
EMBED_DIM = 32
BATCH = 16384

def setup_inputs(seed: int = 0) -> dict:
    key = jax.random.key(seed)
    k1, k2 = jax.random.split(key)
    storm_names = jax.random.randint(k1, (BATCH,), 0, MAX_STORMS)
    storm_embed_weight = jax.random.normal(k2, (MAX_STORMS, EMBED_DIM), dtype=jnp.float32)
    return {"storm_names": storm_names, "storm_embed_weight": storm_embed_weight}

def reference(storm_names, storm_embed_weight):
    # forward: indices = storm_names.long(); return self.storm_embed(indices)
    indices = storm_names.astype(jnp.int64) if storm_names.dtype != jnp.int64 else storm_names
    return jnp.take(storm_embed_weight, indices, axis=0)

if __name__ == "__main__":
    import jax
    _d = setup_inputs()
    print(jax.jit(kernel)(*tuple(_d.values())))

</pallas_src>

<mosaic_0001>
#map = affine_map<(d0, d1) -> (0, 0, 0)>
#map1 = affine_map<(d0, d1) -> (0, 0)>
#map2 = affine_map<(d0, d1) -> (0, 0, 0, 0)>
module attributes {stable_mosaic.version = 14 : i64} {
  func.func @_sc_gather(%arg0: i32, %arg1: i32, %arg2: memref<32x4x128xi32, #tpu.memory_space<hbm>>, %arg3: memref<1000000x32xf32, #tpu.memory_space<hbm>>, %arg4: memref<32x4x128x32xf32, #tpu.memory_space<hbm>>, %arg5: memref<4x128xi32, #tpu.memory_space<vmem>>, %arg6: memref<4x128xi32, #tpu.memory_space<vmem>>, %arg7: memref<4x128x32xf32, #tpu.memory_space<vmem>>, %arg8: memref<!tpu.dma_semaphore, #tpu.memory_space<semaphore_mem>>) attributes {dimension_semantics = [#tpu.dimension_semantics<core_parallel>, #tpu.dimension_semantics<subcore_parallel>], iteration_bounds = array<i64: 2, 16>, scalar_prefetch = 0 : i64, scratch_operands = 4 : i64, tpu.core_type = #tpu.core_type<sc_vector_subcore>, window_params = [{transform_indices = #map}, {transform_indices = #map1}, {transform_indices = #map2}]} {
    %mul3A = arith.constant 2 : i32
    %mul3A_0 = arith.muli %arg1, %mul3A : i32
    %add3A = arith.addi %mul3A_0, %arg0 : i32
    %broadcast_in_dim3A = arith.constant -1 : i32
    %broadcast_in_dim3A_1 = vector.broadcast %broadcast_in_dim3A : i32 to vector<16xi32>
    %broadcast_in_dim3A_2 = arith.constant 1 : i32
    %broadcast_in_dim3A_3 = vector.broadcast %broadcast_in_dim3A_2 : i32 to vector<16xi32>
    %broadcast_in_dim3A_4 = arith.constant 0 : i32
    %broadcast_in_dim3A_5 = vector.broadcast %broadcast_in_dim3A_4 : i32 to vector<16xi32>
    "tpu.region"() ({
      %run_scoped3A = tpu.sem_alloc : memref<!tpu.dma_semaphore, #tpu.memory_space<semaphore_mem>>
      %dma_start3A_582 = arith.constant 0 : i32
      %dma_start3A_583 = arith.constant 0 : i32
      %dma_start3A_584 = tpu.memref_slice %arg2[%add3A, %dma_start3A_582, %dma_start3A_583] : memref<32x4x128xi32, #tpu.memory_space<hbm>> -> memref<1x4x128xi32, #tpu.memory_space<hbm>>
      %dma_start3A_585 = tpu.memref_squeeze %dma_start3A_584 : memref<1x4x128xi32, #tpu.memory_space<hbm>> -> memref<4x128xi32, #tpu.memory_space<hbm>>
      %dma_start3A_586 = arith.constant 0 : i32
      %dma_start3A_587 = arith.constant 0 : i32
      %dma_start3A_588 = tpu.memref_slice %arg2[%add3A, %dma_start3A_586, %dma_start3A_587] : memref<32x4x128xi32, #tpu.memory_space<hbm>> -> memref<1x4x128xi32, #tpu.memory_space<hbm>>
      %dma_start3A_589 = tpu.memref_squeeze %dma_start3A_588 : memref<1x4x128xi32, #tpu.memory_space<hbm>> -> memref<4x128xi32, #tpu.memory_space<hbm>>
      tpu.enqueue_dma source(%dma_start3A_589 : memref<4x128xi32, #tpu.memory_space<hbm>>) target(%arg5 : memref<4x128xi32, #tpu.memory_space<vmem>>) target_semaphore(%run_scoped3A : memref<!tpu.dma_semaphore, #tpu.memory_space<semaphore_mem>>)
      %dma_wait3A_590 = arith.constant 0 : i32
      %dma_wait3A_591 = arith.constant 0 : i32
      %dma_wait3A_592 = tpu.memref_slice %arg2[%add3A, %dma_wait3A_590, %dma_wait3A_591] : memref<32x4x128xi32, #tpu.memory_space<hbm>> -> memref<1x4x128xi32, #tpu.memory_space<hbm>>
      %dma_wait3A_593 = tpu.memref_squeeze %dma_wait3A_592 : memref<1x4x128xi32, #tpu.memory_space<hbm>> -> memref<4x128xi32, #tpu.memory_space<hbm>>
      %dma_wait3A_594 = arith.constant 0 : i32
      %dma_wait3A_595 = arith.constant 0 : i32
      %dma_wait3A_596 = tpu.memref_slice %arg2[%add3A, %dma_wait3A_594, %dma_wait3A_595] : memref<32x4x128xi32, #tpu.memory_space<hbm>> -> memref<1x4x128xi32, #tpu.memory_space<hbm>>
      %dma_wait3A_597 = tpu.memref_squeeze %dma_wait3A_596 : memref<1x4x128xi32, #tpu.memory_space<hbm>> -> memref<4x128xi32, #tpu.memory_space<hbm>>
      tpu.wait_dma2 semaphore(%run_scoped3A : memref<!tpu.dma_semaphore, #tpu.memory_space<semaphore_mem>>) src(%dma_wait3A_597 : memref<4x128xi32, #tpu.memory_space<hbm>>) dst(%arg5 : memref<4x128xi32, #tpu.memory_space<vmem>>)
      tpu.yield
    }) : () -> ()
    %swap3A = arith.constant 0 : i32
    %swap3A_6 = arith.index_cast %swap3A : i32 to index
    %swap3A_7 = arith.constant 0 : index
    %swap3A_8 = tpu.vector_load %arg6[%swap3A_6, %swap3A_7] {strides = array<i32>} : memref<4x128xi32, #tpu.memory_space<vmem>>, vector<16xi32>,
    tpu.vector_store %arg6[%swap3A_6, %swap3A_7], %broadcast_in_dim3A_1 {strides = array<i32>} : memref<4x128xi32, #tpu.memory_space<vmem>>, vector<16xi32>,
    %swap3A_9 = arith.constant 0 : i32
    %swap3A_10 = arith.index_cast %swap3A_9 : i32 to index
    %swap3A_11 = arith.constant 16 : index
    %swap3A_12 = tpu.vector_load %arg6[%swap3A_10, %swap3A_11] {strides = array<i32>} : memref<4x128xi32, #tpu.memory_space<vmem>>, vector<16xi32>,
    tpu.vector_store %arg6[%swap3A_10, %swap3A_11], %broadcast_in_dim3A_1 {strides = array<i32>} : memref<4x128xi32, #tpu.memory_space<vmem>>, vector<16xi32>,
    %swap3A_13 = arith.constant 0 : i32
    %swap3A_14 = arith.index_cast %swap3A_13 : i32 to index
    %swap3A_15 = arith.constant 32 : index
    %swap3A_16 = tpu.vector_load %arg6[%swap3A_14, %swap3A_15] {strides = array<i32>} : memref<4x128xi32, #tpu.memory_space<vmem>>, vector<16xi32>,
    tpu.vector_store %arg6[%swap3A_14, %swap3A_15], %broadcast_in_dim3A_1 {strides = array<i32>} : memref<4x128xi32, #tpu.memory_space<vmem>>, vector<16xi32>,
    %swap3A_17 = arith.constant 0 : i32
    %swap3A_18 = arith.index_cast %swap3A_17 : i32 to index
    %swap3A_19 = arith.constant 48 : index
    %swap3A_20 = tpu.vector_load %arg6[%swap3A_18, %swap3A_19] {strides = array<i32>} : memref<4x128xi32, #tpu.memory_space<vmem>>, vector<16xi32>,
    tpu.vector_store %arg6[%swap3A_18, %swap3A_19], %broadcast_in_dim3A_1 {strides = array<i32>} : memref<4x128xi32, #tpu.memory_space<vmem>>, vector<16xi32>,
    %swap3A_21 = arith.constant 0 : i32
    %swap3A_22 = arith.index_cast %swap3A_21 : i32 to index
    %swap3A_23 = arith.constant 64 : index
    %swap3A_24 = tpu.vector_load %arg6[%swap3A_22, %swap3A_23] {strides = array<i32>} : memref<4x128xi32, #tpu.memory_space<vmem>>, vector<16xi32>,
    tpu.vector_store %arg6[%swap3A_22, %swap3A_23], %broadcast_in_dim3A_1 {strides = array<i32>} : memref<4x128xi32, #tpu.memory_space<vmem>>, vector<16xi32>,
    %swap3A_25 = arith.constant 0 : i32
    %swap3A_26 = arith.index_cast %swap3A_25 : i32 to index
    %swap3A_27 = arith.constant 80 : index
    %swap3A_28 = tpu.vector_load %arg6[%swap3A_26, %swap3A_27] {strides = array<i32>} : memref<4x128xi32, #tpu.memory_space<vmem>>, vector<16xi32>,
    tpu.vector_store %arg6[%swap3A_26, %swap3A_27], %broadcast_in_dim3A_1 {strides = array<i32>} : memref<4x128xi32, #tpu.memory_space<vmem>>, vector<16xi32>,
    %swap3A_29 = arith.constant 0 : i32
    %swap3A_30 = arith.index_cast %swap3A_29 : i32 to index
    %swap3A_31 = arith.constant 96 : index
    %swap3A_32 = tpu.vector_load %arg6[%swap3A_30, %swap3A_31] {strides = array<i32>} : memref<4x128xi32, #tpu.memory_space<vmem>>, vector<16xi32>,
    tpu.vector_store %arg6[%swap3A_30, %swap3A_31], %broadcast_in_dim3A_1 {strides = array<i32>} : memref<4x128xi32, #tpu.memory_space<vmem>>, vector<16xi32>,
    %swap3A_33 = arith.constant 0 : i32
    %swap3A_34 = arith.index_cast %swap3A_33 : i32 to index
    %swap3A_35 = arith.constant 112 : index
    %swap3A_36 = tpu.vector_load %arg6[%swap3A_34, %swap3A_35] {strides = array<i32>} : memref<4x128xi32, #tpu.memory_space<vmem>>, vector<16xi32>,
    tpu.vector_store %arg6[%swap3A_34, %swap3A_35], %broadcast_in_dim3A_1 {strides = array<i32>} : memref<4x128xi32, #tpu.memory_space<vmem>>, vector<16xi32>,
    %swap3A_37 = arith.constant 1 : i32
    %swap3A_38 = arith.index_cast %swap3A_37 : i32 to index
    %swap3A_39 = arith.constant 0 : index
    %swap3A_40 = tpu.vector_load %arg6[%swap3A_38, %swap3A_39] {strides = array<i32>} : memref<4x128xi32, #tpu.memory_space<vmem>>, vector<16xi32>,
    tpu.vector_store %arg6[%swap3A_38, %swap3A_39], %broadcast_in_dim3A_1 {strides = array<i32>} : memref<4x128xi32, #tpu.memory_space<vmem>>, vector<16xi32>,
    %swap3A_41 = arith.constant 1 : i32
    %swap3A_42 = arith.index_cast %swap3A_41 : i32 to index
    %swap3A_43 = arith.constant 16 : index
    %swap3A_44 = tpu.vector_load %arg6[%swap3A_42, %swap3A_43] {strides = array<i32>} : memref<4x128xi32, #tpu.memory_space<vmem>>, vector<16xi32>,
    tpu.vector_store %arg6[%swap3A_42, %swap3A_43], %broadcast_in_dim3A_1 {strides = array<i32>} : memref<4x128xi32, #tpu.memory_space<vmem>>, vector<16xi32>,
    %swap3A_45 = arith.constant 1 : i32
    %swap3A_46 = arith.index_cast %swap3A_45 : i32 to index
    %swap3A_47 = arith.constant 32 : index
    %swap3A_48 = tpu.vector_load %arg6[%swap3A_46, %swap3A_47] {strides = array<i32>} : memref<4x128xi32, #tpu.memory_space<vmem>>, vector<16xi32>,
    tpu.vector_store %arg6[%swap3A_46, %swap3A_47], %broadcast_in_dim3A_1 {strides = array<i32>} : memref<4x128xi32, #tpu.memory_space<vmem>>, vector<16xi32>,
    %swap3A_49 = arith.constant 1 : i32
    %swap3A_50 = arith.index_cast %swap3A_49 : i32 to index
    %swap3A_51 = arith.constant 48 : index
    %swap3A_52 = tpu.vector_load %arg6[%swap3A_50, %swap3A_51] {strides = array<i32>} : memref<4x128xi32, #tpu.memory_space<vmem>>, vector<16xi32>,
    tpu.vector_store %arg6[%swap3A_50, %swap3A_51], %broadcast_in_dim3A_1 {strides = array<i32>} : memref<4x128xi32, #tpu.memory_space<vmem>>, vector<16xi32>,
    %swap3A_53 = arith.constant 1 : i32
    %swap3A_54 = arith.index_cast %swap3A_53 : i32 to index
    %swap3A_55 = arith.constant 64 : index
    %swap3A_56 = tpu.vector_load %arg6[%swap3A_54, %swap3A_55] {strides = array<i32>} : memref<4x128xi32, #tpu.memory_space<vmem>>, vector<16xi32>,
    tpu.vector_store %arg6[%swap3A_54, %swap3A_55], %broadcast_in_dim3A_1 {strides = array<i32>} : memref<4x128xi32, #tpu.memory_space<vmem>>, vector<16xi32>,
    %swap3A_57 = arith.constant 1 : i32
    %swap3A_58 = arith.index_cast %swap3A_57 : i32 to index
    %swap3A_59 = arith.constant 80 : index
    %swap3A_60 = tpu.vector_load %arg6[%swap3A_58, %swap3A_59] {strides = array<i32>} : memref<4x128xi32, #tpu.memory_space<vmem>>, vector<16xi32>,
    tpu.vector_store %arg6[%swap3A_58, %swap3A_59], %broadcast_in_dim3A_1 {strides = array<i32>} : memref<4x128xi32, #tpu.memory_space<vmem>>, vector<16xi32>,
    %swap3A_61 = arith.constant 1 : i32
    %swap3A_62 = arith.index_cast %swap3A_61 : i32 to index
    %swap3A_63 = arith.constant 96 : index
    %swap3A_64 = tpu.vector_load %arg6[%swap3A_62, %swap3A_63] {strides = array<i32>} : memref<4x128xi32, #tpu.memory_space<vmem>>, vector<16xi32>,
    tpu.vector_store %arg6[%swap3A_62, %swap3A_63], %broadcast_in_dim3A_1 {strides = array<i32>} : memref<4x128xi32, #tpu.memory_space<vmem>>, vector<16xi32>,
    %swap3A_65 = arith.constant 1 : i32
    %swap3A_66 = arith.index_cast %swap3A_65 : i32 to index
    %swap3A_67 = arith.constant 112 : index
    %swap3A_68 = tpu.vector_load %arg6[%swap3A_66, %swap3A_67] {strides = array<i32>} : memref<4x128xi32, #tpu.memory_space<vmem>>, vector<16xi32>,
    tpu.vector_store %arg6[%swap3A_66, %swap3A_67], %broadcast_in_dim3A_1 {strides = array<i32>} : memref<4x128xi32, #tpu.memory_space<vmem>>, vector<16xi32>,
    %swap3A_69 = arith.constant 2 : i32
    %swap3A_70 = arith.index_cast %swap3A_69 : i32 to index
    %swap3A_71 = arith.constant 0 : index
    %swap3A_72 = tpu.vector_load %arg6[%swap3A_70, %swap3A_71] {strides = array<i32>} : memref<4x128xi32, #tpu.memory_space<vmem>>, vector<16xi32>,
    tpu.vector_store %arg6[%swap3A_70, %swap3A_71], %broadcast_in_dim3A_1 {strides = array<i32>} : memref<4x128xi32, #tpu.memory_space<vmem>>, vector<16xi32>,
    %swap3A_73 = arith.constant 2 : i32
    %swap3A_74 = arith.index_cast %swap3A_73 : i32 to index
    %swap3A_75 = arith.constant 16 : index
    %swap3A_76 = tpu.vector_load %arg6[%swap3A_74, %swap3A_75] {strides = array<i32>} : memref<4x128xi32, #tpu.memory_space<vmem>>, vector<16xi32>,
    tpu.vector_store %arg6[%swap3A_74, %swap3A_75], %broadcast_in_dim3A_1 {strides = array<i32>} : memref<4x128xi32, #tpu.memory_space<vmem>>, vector<16xi32>,
    %swap3A_77 = arith.constant 2 : i32
    %swap3A_78 = arith.index_cast %swap3A_77 : i32 to index
    %swap3A_79 = arith.constant 32 : index
    %swap3A_80 = tpu.vector_load %arg6[%swap3A_78, %swap3A_79] {strides = array<i32>} : memref<4x128xi32, #tpu.memory_space<vmem>>, vector<16xi32>,
    tpu.vector_store %arg6[%swap3A_78, %swap3A_79], %broadcast_in_dim3A_1 {strides = array<i32>} : memref<4x128xi32, #tpu.memory_space<vmem>>, vector<16xi32>,
    %swap3A_81 = arith.constant 2 : i32
    %swap3A_82 = arith.index_cast %swap3A_81 : i32 to index
    %swap3A_83 = arith.constant 48 : index
    %swap3A_84 = tpu.vector_load %arg6[%swap3A_82, %swap3A_83] {strides = array<i32>} : memref<4x128xi32, #tpu.memory_space<vmem>>, vector<16xi32>,
    tpu.vector_store %arg6[%swap3A_82, %swap3A_83], %broadcast_in_dim3A_1 {strides = array<i32>} : memref<4x128xi32, #tpu.memory_space<vmem>>, vector<16xi32>,
    %swap3A_85 = arith.constant 2 : i32
    %swap3A_86 = arith.index_cast %swap3A_85 : i32 to index
    %swap3A_87 = arith.constant 64 : index
    %swap3A_88 = tpu.vector_load %arg6[%swap3A_86, %swap3A_87] {strides = array<i32>} : memref<4x128xi32, #tpu.memory_space<vmem>>, vector<16xi32>,
    tpu.vector_store %arg6[%swap3A_86, %swap3A_87], %broadcast_in_dim3A_1 {strides = array<i32>} : memref<4x128xi32, #tpu.memory_space<vmem>>, vector<16xi32>,
    %swap3A_89 = arith.constant 2 : i32
    %swap3A_90 = arith.index_cast %swap3A_89 : i32 to index
    %swap3A_91 = arith.constant 80 : index
    %swap3A_92 = tpu.vector_load %arg6[%swap3A_90, %swap3A_91] {strides = array<i32>} : memref<4x128xi32, #tpu.memory_space<vmem>>, vector<16xi32>,
    tpu.vector_store %arg6[%swap3A_90, %swap3A_91], %broadcast_in_dim3A_1 {strides = array<i32>} : memref<4x128xi32, #tpu.memory_space<vmem>>, vector<16xi32>,
    %swap3A_93 = arith.constant 2 : i32
    %swap3A_94 = arith.index_cast %swap3A_93 : i32 to index
    %swap3A_95 = arith.constant 96 : index
    %swap3A_96 = tpu.vector_load %arg6[%swap3A_94, %swap3A_95] {strides = array<i32>} : memref<4x128xi32, #tpu.memory_space<vmem>>, vector<16xi32>,
    tpu.vector_store %arg6[%swap3A_94, %swap3A_95], %broadcast_in_dim3A_1 {strides = array<i32>} : memref<4x128xi32, #tpu.memory_space<vmem>>, vector<16xi32>,
    %swap3A_97 = arith.constant 2 : i32
    %swap3A_98 = arith.index_cast %swap3A_97 : i32 to index
    %swap3A_99 = arith.constant 112 : index
    %swap3A_100 = tpu.vector_load %arg6[%swap3A_98, %swap3A_99] {strides = array<i32>} : memref<4x128xi32, #tpu.memory_space<vmem>>, vector<16xi32>,
    tpu.vector_store %arg6[%swap3A_98, %swap3A_99], %broadcast_in_dim3A_1 {strides = array<i32>} : memref<4x128xi32, #tpu.memory_space<vmem>>, vector<16xi32>,
    %swap3A_101 = arith.constant 3 : i32
    %swap3A_102 = arith.index_cast %swap3A_101 : i32 to index
    %swap3A_103 = arith.constant 0 : index
    %swap3A_104 = tpu.vector_load %arg6[%swap3A_102, %swap3A_103] {strides = array<i32>} : memref<4x128xi32, #tpu.memory_space<vmem>>, vector<16xi32>,
    tpu.vector_store %arg6[%swap3A_102, %swap3A_103], %broadcast_in_dim3A_1 {strides = array<i32>} : memref<4x128xi32, #tpu.memory_space<vmem>>, vector<16xi32>,
    %swap3A_105 = arith.constant 3 : i32
    %swap3A_106 = arith.index_cast %swap3A_105 : i32 to index
    %swap3A_107 = arith.constant 16 : index
    %swap3A_108 = tpu.vector_load %arg6[%swap3A_106, %swap3A_107] {strides = array<i32>} : memref<4x128xi32, #tpu.memory_space<vmem>>, vector<16xi32>,
    tpu.vector_store %arg6[%swap3A_106, %swap3A_107], %broadcast_in_dim3A_1 {strides = array<i32>} : memref<4x128xi32, #tpu.memory_space<vmem>>, vector<16xi32>,
    %swap3A_109 = arith.constant 3 : i32
    %swap3A_110 = arith.index_cast %swap3A_109 : i32 to index
    %swap3A_111 = arith.constant 32 : index
    %swap3A_112 = tpu.vector_load %arg6[%swap3A_110, %swap3A_111] {strides = array<i32>} : memref<4x128xi32, #tpu.memory_space<vmem>>, vector<16xi32>,
    tpu.vector_store %arg6[%swap3A_110, %swap3A_111], %broadcast_in_dim3A_1 {strides = array<i32>} : memref<4x128xi32, #tpu.memory_space<vmem>>, vector<16xi32>,
    %swap3A_113 = arith.constant 3 : i32
    %swap3A_114 = arith.index_cast %swap3A_113 : i32 to index
    %swap3A_115 = arith.constant 48 : index
    %swap3A_116 = tpu.vector_load %arg6[%swap3A_114, %swap3A_115] {strides = array<i32>} : memref<4x128xi32, #tpu.memory_space<vmem>>, vector<16xi32>,
    tpu.vector_store %arg6[%swap3A_114, %swap3A_115], %broadcast_in_dim3A_1 {strides = array<i32>} : memref<4x128xi32, #tpu.memory_space<vmem>>, vector<16xi32>,
    %swap3A_117 = arith.constant 3 : i32
    %swap3A_118 = arith.index_cast %swap3A_117 : i32 to index
    %swap3A_119 = arith.constant 64 : index
    %swap3A_120 = tpu.vector_load %arg6[%swap3A_118, %swap3A_119] {strides = array<i32>} : memref<4x128xi32, #tpu.memory_space<vmem>>, vector<16xi32>,
    tpu.vector_store %arg6[%swap3A_118, %swap3A_119], %broadcast_in_dim3A_1 {strides = array<i32>} : memref<4x128xi32, #tpu.memory_space<vmem>>, vector<16xi32>,
    %swap3A_121 = arith.constant 3 : i32
    %swap3A_122 = arith.index_cast %swap3A_121 : i32 to index
    %swap3A_123 = arith.constant 80 : index
    %swap3A_124 = tpu.vector_load %arg6[%swap3A_122, %swap3A_123] {strides = array<i32>} : memref<4x128xi32, #tpu.memory_space<vmem>>, vector<16xi32>,
    tpu.vector_store %arg6[%swap3A_122, %swap3A_123], %broadcast_in_dim3A_1 {strides = array<i32>} : memref<4x128xi32, #tpu.memory_space<vmem>>, vector<16xi32>,
    %swap3A_125 = arith.constant 3 : i32
    %swap3A_126 = arith.index_cast %swap3A_125 : i32 to index
    %swap3A_127 = arith.constant 96 : index
    %swap3A_128 = tpu.vector_load %arg6[%swap3A_126, %swap3A_127] {strides = array<i32>} : memref<4x128xi32, #tpu.memory_space<vmem>>, vector<16xi32>,
    tpu.vector_store %arg6[%swap3A_126, %swap3A_127], %broadcast_in_dim3A_1 {strides = array<i32>} : memref<4x128xi32, #tpu.memory_space<vmem>>, vector<16xi32>,
    %swap3A_129 = arith.constant 3 : i32
    %swap3A_130 = arith.index_cast %swap3A_129 : i32 to index
    %swap3A_131 = arith.constant 112 : index
    %swap3A_132 = tpu.vector_load %arg6[%swap3A_130, %swap3A_131] {strides = array<i32>} : memref<4x128xi32, #tpu.memory_space<vmem>>, vector<16xi32>,
    tpu.vector_store %arg6[%swap3A_130, %swap3A_131], %broadcast_in_dim3A_1 {strides = array<i32>} : memref<4x128xi32, #tpu.memory_space<vmem>>, vector<16xi32>,
    "tpu.region"() ({
      %run_scoped3A = tpu.sem_alloc : memref<!tpu.dma_semaphore, #tpu.memory_space<semaphore_mem>>
      %dma_start3A_582 = arith.constant 0 : i32
      %dma_start3A_583 = arith.constant 0 : i32
      %dma_start3A_584 = tpu.memref_slice %arg2[%add3A, %dma_start3A_582, %dma_start3A_583] : memref<32x4x128xi32, #tpu.memory_space<hbm>> -> memref<1x4x128xi32, #tpu.memory_space<hbm>>
      %dma_start3A_585 = tpu.memref_squeeze %dma_start3A_584 : memref<1x4x128xi32, #tpu.memory_space<hbm>> -> memref<4x128xi32, #tpu.memory_space<hbm>>
      %dma_start3A_586 = arith.constant 0 : i32
      %dma_start3A_587 = arith.constant 0 : i32
      %dma_start3A_588 = tpu.memref_slice %arg2[%add3A, %dma_start3A_586, %dma_start3A_587] : memref<32x4x128xi32, #tpu.memory_space<hbm>> -> memref<1x4x128xi32, #tpu.memory_space<hbm>>
      %dma_start3A_589 = tpu.memref_squeeze %dma_start3A_588 : memref<1x4x128xi32, #tpu.memory_space<hbm>> -> memref<4x128xi32, #tpu.memory_space<hbm>>
      tpu.enqueue_dma source(%dma_start3A_589 : memref<4x128xi32, #tpu.memory_space<hbm>>) target(%arg6 : memref<4x128xi32, #tpu.memory_space<vmem>>) target_semaphore(%run_scoped3A : memref<!tpu.dma_semaphore, #tpu.memory_space<semaphore_mem>>)
      %dma_wait3A_590 = arith.constant 0 : i32
      %dma_wait3A_591 = arith.constant 0 : i32
      %dma_wait3A_592 = tpu.memref_slice %arg2[%add3A, %dma_wait3A_590, %dma_wait3A_591] : memref<32x4x128xi32, #tpu.memory_space<hbm>> -> memref<1x4x128xi32, #tpu.memory_space<hbm>>
      %dma_wait3A_593 = tpu.memref_squeeze %dma_wait3A_592 : memref<1x4x128xi32, #tpu.memory_space<hbm>> -> memref<4x128xi32, #tpu.memory_space<hbm>>
      %dma_wait3A_594 = arith.constant 0 : i32
      %dma_wait3A_595 = arith.constant 0 : i32
      %dma_wait3A_596 = tpu.memref_slice %arg2[%add3A, %dma_wait3A_594, %dma_wait3A_595] : memref<32x4x128xi32, #tpu.memory_space<hbm>> -> memref<1x4x128xi32, #tpu.memory_space<hbm>>
      %dma_wait3A_597 = tpu.memref_squeeze %dma_wait3A_596 : memref<1x4x128xi32, #tpu.memory_space<hbm>> -> memref<4x128xi32, #tpu.memory_space<hbm>>
      tpu.wait_dma2 semaphore(%run_scoped3A : memref<!tpu.dma_semaphore, #tpu.memory_space<semaphore_mem>>) src(%dma_wait3A_597 : memref<4x128xi32, #tpu.memory_space<hbm>>) dst(%arg6 : memref<4x128xi32, #tpu.memory_space<vmem>>)
      tpu.yield
    }) : () -> ()
    %get3A = arith.constant 0 : i32
    %get3A_133 = arith.index_cast %get3A : i32 to index
    %get3A_134 = arith.constant 0 : index
    %get3A_135 = tpu.vector_load %arg5[%get3A_133, %get3A_134] {strides = array<i32>} : memref<4x128xi32, #tpu.memory_space<vmem>>, vector<16xi32>,
    %get3A_136 = arith.constant 0 : i32
    %get3A_137 = arith.index_cast %get3A_136 : i32 to index
    %get3A_138 = arith.constant 0 : index
    %get3A_139 = tpu.vector_load %arg6[%get3A_137, %get3A_138] {strides = array<i32>} : memref<4x128xi32, #tpu.memory_space<vmem>>, vector<16xi32>,
    %ne3A = arith.cmpi ne, %get3A_135, %get3A_139 : vector<16xi32>
    %select_n3A = arith.select %ne3A, %broadcast_in_dim3A_3, %broadcast_in_dim3A_5 : vector<16xi1>, vector<16xi32>
    %or3A = arith.ori %broadcast_in_dim3A_5, %select_n3A : vector<16xi32>
    %get3A_140 = arith.constant 0 : i32
    %get3A_141 = arith.index_cast %get3A_140 : i32 to index
    %get3A_142 = arith.constant 16 : index
    %get3A_143 = tpu.vector_load %arg5[%get3A_141, %get3A_142] {strides = array<i32>} : memref<4x128xi32, #tpu.memory_space<vmem>>, vector<16xi32>,
    %get3A_144 = arith.constant 0 : i32
    %get3A_145 = arith.index_cast %get3A_144 : i32 to index
    %get3A_146 = arith.constant 16 : index
    %get3A_147 = tpu.vector_load %arg6[%get3A_145, %get3A_146] {strides = array<i32>} : memref<4x128xi32, #tpu.memory_space<vmem>>, vector<16xi32>,
    %ne3A_148 = arith.cmpi ne, %get3A_143, %get3A_147 : vector<16xi32>
    %select_n3A_149 = arith.select %ne3A_148, %broadcast_in_dim3A_3, %broadcast_in_dim3A_5 : vector<16xi1>, vector<16xi32>
    %or3A_150 = arith.ori %or3A, %select_n3A_149 : vector<16xi32>
    %get3A_151 = arith.constant 0 : i32
    %get3A_152 = arith.index_cast %get3A_151 : i32 to index
    %get3A_153 = arith.constant 32 : index
    %get3A_154 = tpu.vector_load %arg5[%get3A_152, %get3A_153] {strides = array<i32>} : memref<4x128xi32, #tpu.memory_space<vmem>>, vector<16xi32>,
    %get3A_155 = arith.constant 0 : i32
    %get3A_156 = arith.index_cast %get3A_155 : i32 to index
    %get3A_157 = arith.constant 32 : index
    %get3A_158 = tpu.vector_load %arg6[%get3A_156, %get3A_157] {strides = array<i32>} : memref<4x128xi32, #tpu.memory_space<vmem>>, vector<16xi32>,
    %ne3A_159 = arith.cmpi ne, %get3A_154, %get3A_158 : vector<16xi32>
    %select_n3A_160 = arith.select %ne3A_159, %broadcast_in_dim3A_3, %broadcast_in_dim3A_5 : vector<16xi1>, vector<16xi32>
    %or3A_161 = arith.ori %or3A_150, %select_n3A_160 : vector<16xi32>
    %get3A_162 = arith.constant 0 : i32
    %get3A_163 = arith.index_cast %get3A_162 : i32 to index
    %get3A_164 = arith.constant 48 : index
    %get3A_165 = tpu.vector_load %arg5[%get3A_163, %get3A_164] {strides = array<i32>} : memref<4x128xi32, #tpu.memory_space<vmem>>, vector<16xi32>,
    %get3A_166 = arith.constant 0 : i32
    %get3A_167 = arith.index_cast %get3A_166 : i32 to index
    %get3A_168 = arith.constant 48 : index
    %get3A_169 = tpu.vector_load %arg6[%get3A_167, %get3A_168] {strides = array<i32>} : memref<4x128xi32, #tpu.memory_space<vmem>>, vector<16xi32>,
    %ne3A_170 = arith.cmpi ne, %get3A_165, %get3A_169 : vector<16xi32>
    %select_n3A_171 = arith.select %ne3A_170, %broadcast_in_dim3A_3, %broadcast_in_dim3A_5 : vector<16xi1>, vector<16xi32>
    %or3A_172 = arith.ori %or3A_161, %select_n3A_171 : vector<16xi32>
    %get3A_173 = arith.constant 0 : i32
    %get3A_174 = arith.index_cast %get3A_173 : i32 to index
    %get3A_175 = arith.constant 64 : index
    %get3A_176 = tpu.vector_load %arg5[%get3A_174, %get3A_175] {strides = array<i32>} : memref<4x128xi32, #tpu.memory_space<vmem>>, vector<16xi32>,
    %get3A_177 = arith.constant 0 : i32
    %get3A_178 = arith.index_cast %get3A_177 : i32 to index
    %get3A_179 = arith.constant 64 : index
    %get3A_180 = tpu.vector_load %arg6[%get3A_178, %get3A_179] {strides = array<i32>} : memref<4x128xi32, #tpu.memory_space<vmem>>, vector<16xi32>,
    %ne3A_181 = arith.cmpi ne, %get3A_176, %get3A_180 : vector<16xi32>
    %select_n3A_182 = arith.select %ne3A_181, %broadcast_in_dim3A_3, %broadcast_in_dim3A_5 : vector<16xi1>, vector<16xi32>
    %or3A_183 = arith.ori %or3A_172, %select_n3A_182 : vector<16xi32>
    %get3A_184 = arith.constant 0 : i32
    %get3A_185 = arith.index_cast %get3A_184 : i32 to index
    %get3A_186 = arith.constant 80 : index
    %get3A_187 = tpu.vector_load %arg5[%get3A_185, %get3A_186] {strides = array<i32>} : memref<4x128xi32, #tpu.memory_space<vmem>>, vector<16xi32>,
    %get3A_188 = arith.constant 0 : i32
    %get3A_189 = arith.index_cast %get3A_188 : i32 to index
    %get3A_190 = arith.constant 80 : index
    %get3A_191 = tpu.vector_load %arg6[%get3A_189, %get3A_190] {strides = array<i32>} : memref<4x128xi32, #tpu.memory_space<vmem>>, vector<16xi32>,
    %ne3A_192 = arith.cmpi ne, %get3A_187, %get3A_191 : vector<16xi32>
    %select_n3A_193 = arith.select %ne3A_192, %broadcast_in_dim3A_3, %broadcast_in_dim3A_5 : vector<16xi1>, vector<16xi32>
    %or3A_194 = arith.ori %or3A_183, %select_n3A_193 : vector<16xi32>
    %get3A_195 = arith.constant 0 : i32
    %get3A_196 = arith.index_cast %get3A_195 : i32 to index
    %get3A_197 = arith.constant 96 : index
    %get3A_198 = tpu.vector_load %arg5[%get3A_196, %get3A_197] {strides = array<i32>} : memref<4x128xi32, #tpu.memory_space<vmem>>, vector<16xi32>,
    %get3A_199 = arith.constant 0 : i32
    %get3A_200 = arith.index_cast %get3A_199 : i32 to index
    %get3A_201 = arith.constant 96 : index
    %get3A_202 = tpu.vector_load %arg6[%get3A_200, %get3A_201] {strides = array<i32>} : memref<4x128xi32, #tpu.memory_space<vmem>>, vector<16xi32>,
    %ne3A_203 = arith.cmpi ne, %get3A_198, %get3A_202 : vector<16xi32>
    %select_n3A_204 = arith.select %ne3A_203, %broadcast_in_dim3A_3, %broadcast_in_dim3A_5 : vector<16xi1>, vector<16xi32>
    %or3A_205 = arith.ori %or3A_194, %select_n3A_204 : vector<16xi32>
    %get3A_206 = arith.constant 0 : i32
    %get3A_207 = arith.index_cast %get3A_206 : i32 to index
    %get3A_208 = arith.constant 112 : index
    %get3A_209 = tpu.vector_load %arg5[%get3A_207, %get3A_208] {strides = array<i32>} : memref<4x128xi32, #tpu.memory_space<vmem>>, vector<16xi32>,
    %get3A_210 = arith.constant 0 : i32
    %get3A_211 = arith.index_cast %get3A_210 : i32 to index
    %get3A_212 = arith.constant 112 : index
    %get3A_213 = tpu.vector_load %arg6[%get3A_211, %get3A_212] {strides = array<i32>} : memref<4x128xi32, #tpu.memory_space<vmem>>, vector<16xi32>,
    %ne3A_214 = arith.cmpi ne, %get3A_209, %get3A_213 : vector<16xi32>
    %select_n3A_215 = arith.select %ne3A_214, %broadcast_in_dim3A_3, %broadcast_in_dim3A_5 : vector<16xi1>, vector<16xi32>
    %or3A_216 = arith.ori %or3A_205, %select_n3A_215 : vector<16xi32>
    %get3A_217 = arith.constant 1 : i32
    %get3A_218 = arith.index_cast %get3A_217 : i32 to index
    %get3A_219 = arith.constant 0 : index
    %get3A_220 = tpu.vector_load %arg5[%get3A_218, %get3A_219] {strides = array<i32>} : memref<4x128xi32, #tpu.memory_space<vmem>>, vector<16xi32>,
    %get3A_221 = arith.constant 1 : i32
    %get3A_222 = arith.index_cast %get3A_221 : i32 to index
    %get3A_223 = arith.constant 0 : index
    %get3A_224 = tpu.vector_load %arg6[%get3A_222, %get3A_223] {strides = array<i32>} : memref<4x128xi32, #tpu.memory_space<vmem>>, vector<16xi32>,
    %ne3A_225 = arith.cmpi ne, %get3A_220, %get3A_224 : vector<16xi32>
    %select_n3A_226 = arith.select %ne3A_225, %broadcast_in_dim3A_3, %broadcast_in_dim3A_5 : vector<16xi1>, vector<16xi32>
    %or3A_227 = arith.ori %or3A_216, %select_n3A_226 : vector<16xi32>
    %get3A_228 = arith.constant 1 : i32
    %get3A_229 = arith.index_cast %get3A_228 : i32 to index
    %get3A_230 = arith.constant 16 : index
    %get3A_231 = tpu.vector_load %arg5[%get3A_229, %get3A_230] {strides = array<i32>} : memref<4x128xi32, #tpu.memory_space<vmem>>, vector<16xi32>,
    %get3A_232 = arith.constant 1 : i32
    %get3A_233 = arith.index_cast %get3A_232 : i32 to index
    %get3A_234 = arith.constant 16 : index
    %get3A_235 = tpu.vector_load %arg6[%get3A_233, %get3A_234] {strides = array<i32>} : memref<4x128xi32, #tpu.memory_space<vmem>>, vector<16xi32>,
    %ne3A_236 = arith.cmpi ne, %get3A_231, %get3A_235 : vector<16xi32>
    %select_n3A_237 = arith.select %ne3A_236, %broadcast_in_dim3A_3, %broadcast_in_dim3A_5 : vector<16xi1>, vector<16xi32>
    %or3A_238 = arith.ori %or3A_227, %select_n3A_237 : vector<16xi32>
    %get3A_239 = arith.constant 1 : i32
    %get3A_240 = arith.index_cast %get3A_239 : i32 to index
    %get3A_241 = arith.constant 32 : index
    %get3A_242 = tpu.vector_load %arg5[%get3A_240, %get3A_241] {strides = array<i32>} : memref<4x128xi32, #tpu.memory_space<vmem>>, vector<16xi32>,
    %get3A_243 = arith.constant 1 : i32
    %get3A_244 = arith.index_cast %get3A_243 : i32 to index
    %get3A_245 = arith.constant 32 : index
    %get3A_246 = tpu.vector_load %arg6[%get3A_244, %get3A_245] {strides = array<i32>} : memref<4x128xi32, #tpu.memory_space<vmem>>, vector<16xi32>,
    %ne3A_247 = arith.cmpi ne, %get3A_242, %get3A_246 : vector<16xi32>
    %select_n3A_248 = arith.select %ne3A_247, %broadcast_in_dim3A_3, %broadcast_in_dim3A_5 : vector<16xi1>, vector<16xi32>
    %or3A_249 = arith.ori %or3A_238, %select_n3A_248 : vector<16xi32>
    %get3A_250 = arith.constant 1 : i32
    %get3A_251 = arith.index_cast %get3A_250 : i32 to index
    %get3A_252 = arith.constant 48 : index
    %get3A_253 = tpu.vector_load %arg5[%get3A_251, %get3A_252] {strides = array<i32>} : memref<4x128xi32, #tpu.memory_space<vmem>>, vector<16xi32>,
    %get3A_254 = arith.constant 1 : i32
    %get3A_255 = arith.index_cast %get3A_254 : i32 to index
    %get3A_256 = arith.constant 48 : index
    %get3A_257 = tpu.vector_load %arg6[%get3A_255, %get3A_256] {strides = array<i32>} : memref<4x128xi32, #tpu.memory_space<vmem>>, vector<16xi32>,
    %ne3A_258 = arith.cmpi ne, %get3A_253, %get3A_257 : vector<16xi32>
    %select_n3A_259 = arith.select %ne3A_258, %broadcast_in_dim3A_3, %broadcast_in_dim3A_5 : vector<16xi1>, vector<16xi32>
    %or3A_260 = arith.ori %or3A_249, %select_n3A_259 : vector<16xi32>
    %get3A_261 = arith.constant 1 : i32
    %get3A_262 = arith.index_cast %get3A_261 : i32 to index
    %get3A_263 = arith.constant 64 : index
    %get3A_264 = tpu.vector_load %arg5[%get3A_262, %get3A_263] {strides = array<i32>} : memref<4x128xi32, #tpu.memory_space<vmem>>, vector<16xi32>,
    %get3A_265 = arith.constant 1 : i32
    %get3A_266 = arith.index_cast %get3A_265 : i32 to index
    %get3A_267 = arith.constant 64 : index
    %get3A_268 = tpu.vector_load %arg6[%get3A_266, %get3A_267] {strides = array<i32>} : memref<4x128xi32, #tpu.memory_space<vmem>>, vector<16xi32>,
    %ne3A_269 = arith.cmpi ne, %get3A_264, %get3A_268 : vector<16xi32>
    %select_n3A_270 = arith.select %ne3A_269, %broadcast_in_dim3A_3, %broadcast_in_dim3A_5 : vector<16xi1>, vector<16xi32>
    %or3A_271 = arith.ori %or3A_260, %select_n3A_270 : vector<16xi32>
    %get3A_272 = arith.constant 1 : i32
    %get3A_273 = arith.index_cast %get3A_272 : i32 to index
    %get3A_274 = arith.constant 80 : index
    %get3A_275 = tpu.vector_load %arg5[%get3A_273, %get3A_274] {strides = array<i32>} : memref<4x128xi32, #tpu.memory_space<vmem>>, vector<16xi32>,
    %get3A_276 = arith.constant 1 : i32
    %get3A_277 = arith.index_cast %get3A_276 : i32 to index
    %get3A_278 = arith.constant 80 : index
    %get3A_279 = tpu.vector_load %arg6[%get3A_277, %get3A_278] {strides = array<i32>} : memref<4x128xi32, #tpu.memory_space<vmem>>, vector<16xi32>,
    %ne3A_280 = arith.cmpi ne, %get3A_275, %get3A_279 : vector<16xi32>
    %select_n3A_281 = arith.select %ne3A_280, %broadcast_in_dim3A_3, %broadcast_in_dim3A_5 : vector<16xi1>, vector<16xi32>
    %or3A_282 = arith.ori %or3A_271, %select_n3A_281 : vector<16xi32>
    %get3A_283 = arith.constant 1 : i32
    %get3A_284 = arith.index_cast %get3A_283 : i32 to index
    %get3A_285 = arith.constant 96 : index
    %get3A_286 = tpu.vector_load %arg5[%get3A_284, %get3A_285] {strides = array<i32>} : memref<4x128xi32, #tpu.memory_space<vmem>>, vector<16xi32>,
    %get3A_287 = arith.constant 1 : i32
    %get3A_288 = arith.index_cast %get3A_287 : i32 to index
    %get3A_289 = arith.constant 96 : index
    %get3A_290 = tpu.vector_load %arg6[%get3A_288, %get3A_289] {strides = array<i32>} : memref<4x128xi32, #tpu.memory_space<vmem>>, vector<16xi32>,
    %ne3A_291 = arith.cmpi ne, %get3A_286, %get3A_290 : vector<16xi32>
    %select_n3A_292 = arith.select %ne3A_291, %broadcast_in_dim3A_3, %broadcast_in_dim3A_5 : vector<16xi1>, vector<16xi32>
    %or3A_293 = arith.ori %or3A_282, %select_n3A_292 : vector<16xi32>
    %get3A_294 = arith.constant 1 : i32
    %get3A_295 = arith.index_cast %get3A_294 : i32 to index
    %get3A_296 = arith.constant 112 : index
    %get3A_297 = tpu.vector_load %arg5[%get3A_295, %get3A_296] {strides = array<i32>} : memref<4x128xi32, #tpu.memory_space<vmem>>, vector<16xi32>,
    %get3A_298 = arith.constant 1 : i32
    %get3A_299 = arith.index_cast %get3A_298 : i32 to index
    %get3A_300 = arith.constant 112 : index
    %get3A_301 = tpu.vector_load %arg6[%get3A_299, %get3A_300] {strides = array<i32>} : memref<4x128xi32, #tpu.memory_space<vmem>>, vector<16xi32>,
    %ne3A_302 = arith.cmpi ne, %get3A_297, %get3A_301 : vector<16xi32>
    %select_n3A_303 = arith.select %ne3A_302, %broadcast_in_dim3A_3, %broadcast_in_dim3A_5 : vector<16xi1>, vector<16xi32>
    %or3A_304 = arith.ori %or3A_293, %select_n3A_303 : vector<16xi32>
    %get3A_305 = arith.constant 2 : i32
    %get3A_306 = arith.index_cast %get3A_305 : i32 to index
    %get3A_307 = arith.constant 0 : index
    %get3A_308 = tpu.vector_load %arg5[%get3A_306, %get3A_307] {strides = array<i32>} : memref<4x128xi32, #tpu.memory_space<vmem>>, vector<16xi32>,
    %get3A_309 = arith.constant 2 : i32
    %get3A_310 = arith.index_cast %get3A_309 : i32 to index
    %get3A_311 = arith.constant 0 : index
    %get3A_312 = tpu.vector_load %arg6[%get3A_310, %get3A_311] {strides = array<i32>} : memref<4x128xi32, #tpu.memory_space<vmem>>, vector<16xi32>,
    %ne3A_313 = arith.cmpi ne, %get3A_308, %get3A_312 : vector<16xi32>
    %select_n3A_314 = arith.select %ne3A_313, %broadcast_in_dim3A_3, %broadcast_in_dim3A_5 : vector<16xi1>, vector<16xi32>
    %or3A_315 = arith.ori %or3A_304, %select_n3A_314 : vector<16xi32>
    %get3A_316 = arith.constant 2 : i32
    %get3A_317 = arith.index_cast %get3A_316 : i32 to index
    %get3A_318 = arith.constant 16 : index
    %get3A_319 = tpu.vector_load %arg5[%get3A_317, %get3A_318] {strides = array<i32>} : memref<4x128xi32, #tpu.memory_space<vmem>>, vector<16xi32>,
    %get3A_320 = arith.constant 2 : i32
    %get3A_321 = arith.index_cast %get3A_320 : i32 to index
    %get3A_322 = arith.constant 16 : index
    %get3A_323 = tpu.vector_load %arg6[%get3A_321, %get3A_322] {strides = array<i32>} : memref<4x128xi32, #tpu.memory_space<vmem>>, vector<16xi32>,
    %ne3A_324 = arith.cmpi ne, %get3A_319, %get3A_323 : vector<16xi32>
    %select_n3A_325 = arith.select %ne3A_324, %broadcast_in_dim3A_3, %broadcast_in_dim3A_5 : vector<16xi1>, vector<16xi32>
    %or3A_326 = arith.ori %or3A_315, %select_n3A_325 : vector<16xi32>
    %get3A_327 = arith.constant 2 : i32
    %get3A_328 = arith.index_cast %get3A_327 : i32 to index
    %get3A_329 = arith.constant 32 : index
    %get3A_330 = tpu.vector_load %arg5[%get3A_328, %get3A_329] {strides = array<i32>} : memref<4x128xi32, #tpu.memory_space<vmem>>, vector<16xi32>,
    %get3A_331 = arith.constant 2 : i32
    %get3A_332 = arith.index_cast %get3A_331 : i32 to index
    %get3A_333 = arith.constant 32 : index
    %get3A_334 = tpu.vector_load %arg6[%get3A_332, %get3A_333] {strides = array<i32>} : memref<4x128xi32, #tpu.memory_space<vmem>>, vector<16xi32>,
    %ne3A_335 = arith.cmpi ne, %get3A_330, %get3A_334 : vector<16xi32>
    %select_n3A_336 = arith.select %ne3A_335, %broadcast_in_dim3A_3, %broadcast_in_dim3A_5 : vector<16xi1>, vector<16xi32>
    %or3A_337 = arith.ori %or3A_326, %select_n3A_336 : vector<16xi32>
    %get3A_338 = arith.constant 2 : i32
    %get3A_339 = arith.index_cast %get3A_338 : i32 to index
    %get3A_340 = arith.constant 48 : index
    %get3A_341 = tpu.vector_load %arg5[%get3A_339, %get3A_340] {strides = array<i32>} : memref<4x128xi32, #tpu.memory_space<vmem>>, vector<16xi32>,
    %get3A_342 = arith.constant 2 : i32
    %get3A_343 = arith.index_cast %get3A_342 : i32 to index
    %get3A_344 = arith.constant 48 : index
    %get3A_345 = tpu.vector_load %arg6[%get3A_343, %get3A_344] {strides = array<i32>} : memref<4x128xi32, #tpu.memory_space<vmem>>, vector<16xi32>,
    %ne3A_346 = arith.cmpi ne, %get3A_341, %get3A_345 : vector<16xi32>
    %select_n3A_347 = arith.select %ne3A_346, %broadcast_in_dim3A_3, %broadcast_in_dim3A_5 : vector<16xi1>, vector<16xi32>
    %or3A_348 = arith.ori %or3A_337, %select_n3A_347 : vector<16xi32>
    %get3A_349 = arith.constant 2 : i32
    %get3A_350 = arith.index_cast %get3A_349 : i32 to index
    %get3A_351 = arith.constant 64 : index
    %get3A_352 = tpu.vector_load %arg5[%get3A_350, %get3A_351] {strides = array<i32>} : memref<4x128xi32, #tpu.memory_space<vmem>>, vector<16xi32>,
    %get3A_353 = arith.constant 2 : i32
    %get3A_354 = arith.index_cast %get3A_353 : i32 to index
    %get3A_355 = arith.constant 64 : index
    %get3A_356 = tpu.vector_load %arg6[%get3A_354, %get3A_355] {strides = array<i32>} : memref<4x128xi32, #tpu.memory_space<vmem>>, vector<16xi32>,
    %ne3A_357 = arith.cmpi ne, %get3A_352, %get3A_356 : vector<16xi32>
    %select_n3A_358 = arith.select %ne3A_357, %broadcast_in_dim3A_3, %broadcast_in_dim3A_5 : vector<16xi1>, vector<16xi32>
    %or3A_359 = arith.ori %or3A_348, %select_n3A_358 : vector<16xi32>
    %get3A_360 = arith.constant 2 : i32
    %get3A_361 = arith.index_cast %get3A_360 : i32 to index
    %get3A_362 = arith.constant 80 : index
    %get3A_363 = tpu.vector_load %arg5[%get3A_361, %get3A_362] {strides = array<i32>} : memref<4x128xi32, #tpu.memory_space<vmem>>, vector<16xi32>,
    %get3A_364 = arith.constant 2 : i32
    %get3A_365 = arith.index_cast %get3A_364 : i32 to index
    %get3A_366 = arith.constant 80 : index
    %get3A_367 = tpu.vector_load %arg6[%get3A_365, %get3A_366] {strides = array<i32>} : memref<4x128xi32, #tpu.memory_space<vmem>>, vector<16xi32>,
    %ne3A_368 = arith.cmpi ne, %get3A_363, %get3A_367 : vector<16xi32>
    %select_n3A_369 = arith.select %ne3A_368, %broadcast_in_dim3A_3, %broadcast_in_dim3A_5 : vector<16xi1>, vector<16xi32>
    %or3A_370 = arith.ori %or3A_359, %select_n3A_369 : vector<16xi32>
    %get3A_371 = arith.constant 2 : i32
    %get3A_372 = arith.index_cast %get3A_371 : i32 to index
    %get3A_373 = arith.constant 96 : index
    %get3A_374 = tpu.vector_load %arg5[%get3A_372, %get3A_373] {strides = array<i32>} : memref<4x128xi32, #tpu.memory_space<vmem>>, vector<16xi32>,
    %get3A_375 = arith.constant 2 : i32
    %get3A_376 = arith.index_cast %get3A_375 : i32 to index
    %get3A_377 = arith.constant 96 : index
    %get3A_378 = tpu.vector_load %arg6[%get3A_376, %get3A_377] {strides = array<i32>} : memref<4x128xi32, #tpu.memory_space<vmem>>, vector<16xi32>,
    %ne3A_379 = arith.cmpi ne, %get3A_374, %get3A_378 : vector<16xi32>
    %select_n3A_380 = arith.select %ne3A_379, %broadcast_in_dim3A_3, %broadcast_in_dim3A_5 : vector<16xi1>, vector<16xi32>
    %or3A_381 = arith.ori %or3A_370, %select_n3A_380 : vector<16xi32>
    %get3A_382 = arith.constant 2 : i32
    %get3A_383 = arith.index_cast %get3A_382 : i32 to index
    %get3A_384 = arith.constant 112 : index
    %get3A_385 = tpu.vector_load %arg5[%get3A_383, %get3A_384] {strides = array<i32>} : memref<4x128xi32, #tpu.memory_space<vmem>>, vector<16xi32>,
    %get3A_386 = arith.constant 2 : i32
    %get3A_387 = arith.index_cast %get3A_386 : i32 to index
    %get3A_388 = arith.constant 112 : index
    %get3A_389 = tpu.vector_load %arg6[%get3A_387, %get3A_388] {strides = array<i32>} : memref<4x128xi32, #tpu.memory_space<vmem>>, vector<16xi32>,
    %ne3A_390 = arith.cmpi ne, %get3A_385, %get3A_389 : vector<16xi32>
    %select_n3A_391 = arith.select %ne3A_390, %broadcast_in_dim3A_3, %broadcast_in_dim3A_5 : vector<16xi1>, vector<16xi32>
    %or3A_392 = arith.ori %or3A_381, %select_n3A_391 : vector<16xi32>
    %get3A_393 = arith.constant 3 : i32
    %get3A_394 = arith.index_cast %get3A_393 : i32 to index
    %get3A_395 = arith.constant 0 : index
    %get3A_396 = tpu.vector_load %arg5[%get3A_394, %get3A_395] {strides = array<i32>} : memref<4x128xi32, #tpu.memory_space<vmem>>, vector<16xi32>,
    %get3A_397 = arith.constant 3 : i32
    %get3A_398 = arith.index_cast %get3A_397 : i32 to index
    %get3A_399 = arith.constant 0 : index
    %get3A_400 = tpu.vector_load %arg6[%get3A_398, %get3A_399] {strides = array<i32>} : memref<4x128xi32, #tpu.memory_space<vmem>>, vector<16xi32>,
    %ne3A_401 = arith.cmpi ne, %get3A_396, %get3A_400 : vector<16xi32>
    %select_n3A_402 = arith.select %ne3A_401, %broadcast_in_dim3A_3, %broadcast_in_dim3A_5 : vector<16xi1>, vector<16xi32>
    %or3A_403 = arith.ori %or3A_392, %select_n3A_402 : vector<16xi32>
    %get3A_404 = arith.constant 3 : i32
    %get3A_405 = arith.index_cast %get3A_404 : i32 to index
    %get3A_406 = arith.constant 16 : index
    %get3A_407 = tpu.vector_load %arg5[%get3A_405, %get3A_406] {strides = array<i32>} : memref<4x128xi32, #tpu.memory_space<vmem>>, vector<16xi32>,
    %get3A_408 = arith.constant 3 : i32
    %get3A_409 = arith.index_cast %get3A_408 : i32 to index
    %get3A_410 = arith.constant 16 : index
    %get3A_411 = tpu.vector_load %arg6[%get3A_409, %get3A_410] {strides = array<i32>} : memref<4x128xi32, #tpu.memory_space<vmem>>, vector<16xi32>,
    %ne3A_412 = arith.cmpi ne, %get3A_407, %get3A_411 : vector<16xi32>
    %select_n3A_413 = arith.select %ne3A_412, %broadcast_in_dim3A_3, %broadcast_in_dim3A_5 : vector<16xi1>, vector<16xi32>
    %or3A_414 = arith.ori %or3A_403, %select_n3A_413 : vector<16xi32>
    %get3A_415 = arith.constant 3 : i32
    %get3A_416 = arith.index_cast %get3A_415 : i32 to index
    %get3A_417 = arith.constant 32 : index
    %get3A_418 = tpu.vector_load %arg5[%get3A_416, %get3A_417] {strides = array<i32>} : memref<4x128xi32, #tpu.memory_space<vmem>>, vector<16xi32>,
    %get3A_419 = arith.constant 3 : i32
    %get3A_420 = arith.index_cast %get3A_419 : i32 to index
    %get3A_421 = arith.constant 32 : index
    %get3A_422 = tpu.vector_load %arg6[%get3A_420, %get3A_421] {strides = array<i32>} : memref<4x128xi32, #tpu.memory_space<vmem>>, vector<16xi32>,
    %ne3A_423 = arith.cmpi ne, %get3A_418, %get3A_422 : vector<16xi32>
    %select_n3A_424 = arith.select %ne3A_423, %broadcast_in_dim3A_3, %broadcast_in_dim3A_5 : vector<16xi1>, vector<16xi32>
    %or3A_425 = arith.ori %or3A_414, %select_n3A_424 : vector<16xi32>
    %get3A_426 = arith.constant 3 : i32
    %get3A_427 = arith.index_cast %get3A_426 : i32 to index
    %get3A_428 = arith.constant 48 : index
    %get3A_429 = tpu.vector_load %arg5[%get3A_427, %get3A_428] {strides = array<i32>} : memref<4x128xi32, #tpu.memory_space<vmem>>, vector<16xi32>,
    %get3A_430 = arith.constant 3 : i32
    %get3A_431 = arith.index_cast %get3A_430 : i32 to index
    %get3A_432 = arith.constant 48 : index
    %get3A_433 = tpu.vector_load %arg6[%get3A_431, %get3A_432] {strides = array<i32>} : memref<4x128xi32, #tpu.memory_space<vmem>>, vector<16xi32>,
    %ne3A_434 = arith.cmpi ne, %get3A_429, %get3A_433 : vector<16xi32>
    %select_n3A_435 = arith.select %ne3A_434, %broadcast_in_dim3A_3, %broadcast_in_dim3A_5 : vector<16xi1>, vector<16xi32>
    %or3A_436 = arith.ori %or3A_425, %select_n3A_435 : vector<16xi32>
    %get3A_437 = arith.constant 3 : i32
    %get3A_438 = arith.index_cast %get3A_437 : i32 to index
    %get3A_439 = arith.constant 64 : index
    %get3A_440 = tpu.vector_load %arg5[%get3A_438, %get3A_439] {strides = array<i32>} : memref<4x128xi32, #tpu.memory_space<vmem>>, vector<16xi32>,
    %get3A_441 = arith.constant 3 : i32
    %get3A_442 = arith.index_cast %get3A_441 : i32 to index
    %get3A_443 = arith.constant 64 : index
    %get3A_444 = tpu.vector_load %arg6[%get3A_442, %get3A_443] {strides = array<i32>} : memref<4x128xi32, #tpu.memory_space<vmem>>, vector<16xi32>,
    %ne3A_445 = arith.cmpi ne, %get3A_440, %get3A_444 : vector<16xi32>
    %select_n3A_446 = arith.select %ne3A_445, %broadcast_in_dim3A_3, %broadcast_in_dim3A_5 : vector<16xi1>, vector<16xi32>
    %or3A_447 = arith.ori %or3A_436, %select_n3A_446 : vector<16xi32>
    %get3A_448 = arith.constant 3 : i32
    %get3A_449 = arith.index_cast %get3A_448 : i32 to index
    %get3A_450 = arith.constant 80 : index
    %get3A_451 = tpu.vector_load %arg5[%get3A_449, %get3A_450] {strides = array<i32>} : memref<4x128xi32, #tpu.memory_space<vmem>>, vector<16xi32>,
    %get3A_452 = arith.constant 3 : i32
    %get3A_453 = arith.index_cast %get3A_452 : i32 to index
    %get3A_454 = arith.constant 80 : index
    %get3A_455 = tpu.vector_load %arg6[%get3A_453, %get3A_454] {strides = array<i32>} : memref<4x128xi32, #tpu.memory_space<vmem>>, vector<16xi32>,
    %ne3A_456 = arith.cmpi ne, %get3A_451, %get3A_455 : vector<16xi32>
    %select_n3A_457 = arith.select %ne3A_456, %broadcast_in_dim3A_3, %broadcast_in_dim3A_5 : vector<16xi1>, vector<16xi32>
    %or3A_458 = arith.ori %or3A_447, %select_n3A_457 : vector<16xi32>
    %get3A_459 = arith.constant 3 : i32
    %get3A_460 = arith.index_cast %get3A_459 : i32 to index
    %get3A_461 = arith.constant 96 : index
    %get3A_462 = tpu.vector_load %arg5[%get3A_460, %get3A_461] {strides = array<i32>} : memref<4x128xi32, #tpu.memory_space<vmem>>, vector<16xi32>,
    %get3A_463 = arith.constant 3 : i32
    %get3A_464 = arith.index_cast %get3A_463 : i32 to index
    %get3A_465 = arith.constant 96 : index
    %get3A_466 = tpu.vector_load %arg6[%get3A_464, %get3A_465] {strides = array<i32>} : memref<4x128xi32, #tpu.memory_space<vmem>>, vector<16xi32>,
    %ne3A_467 = arith.cmpi ne, %get3A_462, %get3A_466 : vector<16xi32>
    %select_n3A_468 = arith.select %ne3A_467, %broadcast_in_dim3A_3, %broadcast_in_dim3A_5 : vector<16xi1>, vector<16xi32>
    %or3A_469 = arith.ori %or3A_458, %select_n3A_468 : vector<16xi32>
    %get3A_470 = arith.constant 3 : i32
    %get3A_471 = arith.index_cast %get3A_470 : i32 to index
    %get3A_472 = arith.constant 112 : index
    %get3A_473 = tpu.vector_load %arg5[%get3A_471, %get3A_472] {strides = array<i32>} : memref<4x128xi32, #tpu.memory_space<vmem>>, vector<16xi32>,
    %get3A_474 = arith.constant 3 : i32
    %get3A_475 = arith.index_cast %get3A_474 : i32 to index
    %get3A_476 = arith.constant 112 : index
    %get3A_477 = tpu.vector_load %arg6[%get3A_475, %get3A_476] {strides = array<i32>} : memref<4x128xi32, #tpu.memory_space<vmem>>, vector<16xi32>,
    %ne3A_478 = arith.cmpi ne, %get3A_473, %get3A_477 : vector<16xi32>
    %select_n3A_479 = arith.select %ne3A_478, %broadcast_in_dim3A_3, %broadcast_in_dim3A_5 : vector<16xi1>, vector<16xi32>
    %or3A_480 = arith.ori %or3A_469, %select_n3A_479 : vector<16xi32>
    %reduce_max3A = arith.constant true
    %reduce_max3A_481 = vector.broadcast %reduce_max3A : i1 to vector<16xi1>
    %reduce_max3A_482 = arith.constant -2147483648 : i32
    %reduce_max3A_483 = vector.broadcast %reduce_max3A_482 : i32 to vector<16xi32>
    %reduce_max3A_484 = arith.xori %or3A_480, %reduce_max3A_483 : vector<16xi32>
    %reduce_max3A_485 = tpu.scan <max>, %reduce_max3A_484 masked %reduce_max3A_481 : vector<16xi32>, vector<16xi1> -> vector<16xi32>
    %reduce_max3A_486 = arith.xori %reduce_max3A_485, %reduce_max3A_483 : vector<16xi32>
    %reduce_max3A_487 = vector.extract %reduce_max3A_486[15] : i32 from vector<16xi32>
    %while3A = scf.while (%while3A_582 = %reduce_max3A_487) : (i32) -> i32 {
      %ne3A_583 = arith.constant 0 : i32
      %ne3A_584 = arith.cmpi ne, %while3A_582, %ne3A_583 : i32
      scf.condition(%ne3A_584) %while3A_582 : i32
    } do {
    ^bb0(%while3A_582: i32):
      "tpu.region"() ({
        %run_scoped3A = tpu.sem_alloc : memref<!tpu.dma_semaphore, #tpu.memory_space<semaphore_mem>>
        %dma_start3A_1071 = arith.constant 0 : i32
        %dma_start3A_1072 = arith.constant 0 : i32
        %dma_start3A_1073 = tpu.memref_slice %arg2[%add3A, %dma_start3A_1071, %dma_start3A_1072] : memref<32x4x128xi32, #tpu.memory_space<hbm>> -> memref<1x4x128xi32, #tpu.memory_space<hbm>>
        %dma_start3A_1074 = tpu.memref_squeeze %dma_start3A_1073 : memref<1x4x128xi32, #tpu.memory_space<hbm>> -> memref<4x128xi32, #tpu.memory_space<hbm>>
        %dma_start3A_1075 = arith.constant 0 : i32
        %dma_start3A_1076 = arith.constant 0 : i32
        %dma_start3A_1077 = tpu.memref_slice %arg2[%add3A, %dma_start3A_1075, %dma_start3A_1076] : memref<32x4x128xi32, #tpu.memory_space<hbm>> -> memref<1x4x128xi32, #tpu.memory_space<hbm>>
        %dma_start3A_1078 = tpu.memref_squeeze %dma_start3A_1077 : memref<1x4x128xi32, #tpu.memory_space<hbm>> -> memref<4x128xi32, #tpu.memory_space<hbm>>
        tpu.enqueue_dma source(%dma_start3A_1078 : memref<4x128xi32, #tpu.memory_space<hbm>>) target(%arg5 : memref<4x128xi32, #tpu.memory_space<vmem>>) target_semaphore(%run_scoped3A : memref<!tpu.dma_semaphore, #tpu.memory_space<semaphore_mem>>)
        %dma_wait3A_1079 = arith.constant 0 : i32
        %dma_wait3A_1080 = arith.constant 0 : i32
        %dma_wait3A_1081 = tpu.memref_slice %arg2[%add3A, %dma_wait3A_1079, %dma_wait3A_1080] : memref<32x4x128xi32, #tpu.memory_space<hbm>> -> memref<1x4x128xi32, #tpu.memory_space<hbm>>
        %dma_wait3A_1082 = tpu.memref_squeeze %dma_wait3A_1081 : memref<1x4x128xi32, #tpu.memory_space<hbm>> -> memref<4x128xi32, #tpu.memory_space<hbm>>
        %dma_wait3A_1083 = arith.constant 0 : i32
        %dma_wait3A_1084 = arith.constant 0 : i32
        %dma_wait3A_1085 = tpu.memref_slice %arg2[%add3A, %dma_wait3A_1083, %dma_wait3A_1084] : memref<32x4x128xi32, #tpu.memory_space<hbm>> -> memref<1x4x128xi32, #tpu.memory_space<hbm>>
        %dma_wait3A_1086 = tpu.memref_squeeze %dma_wait3A_1085 : memref<1x4x128xi32, #tpu.memory_space<hbm>> -> memref<4x128xi32, #tpu.memory_space<hbm>>
        tpu.wait_dma2 semaphore(%run_scoped3A : memref<!tpu.dma_semaphore, #tpu.memory_space<semaphore_mem>>) src(%dma_wait3A_1086 : memref<4x128xi32, #tpu.memory_space<hbm>>) dst(%arg5 : memref<4x128xi32, #tpu.memory_space<vmem>>)
        tpu.yield
      }) : () -> ()
      %swap3A_583 = arith.constant 0 : i32
      %swap3A_584 = arith.index_cast %swap3A_583 : i32 to index
      %swap3A_585 = arith.constant 0 : index
      %swap3A_586 = tpu.vector_load %arg6[%swap3A_584, %swap3A_585] {strides = array<i32>} : memref<4x128xi32, #tpu.memory_space<vmem>>, vector<16xi32>,
      tpu.vector_store %arg6[%swap3A_584, %swap3A_585], %broadcast_in_dim3A_1 {strides = array<i32>} : memref<4x128xi32, #tpu.memory_space<vmem>>, vector<16xi32>,
      %swap3A_587 = arith.constant 0 : i32
      %swap3A_588 = arith.index_cast %swap3A_587 : i32 to index
      %swap3A_589 = arith.constant 16 : index
      %swap3A_590 = tpu.vector_load %arg6[%swap3A_588, %swap3A_589] {strides = array<i32>} : memref<4x128xi32, #tpu.memory_space<vmem>>, vector<16xi32>,
      tpu.vector_store %arg6[%swap3A_588, %swap3A_589], %broadcast_in_dim3A_1 {strides = array<i32>} : memref<4x128xi32, #tpu.memory_space<vmem>>, vector<16xi32>,
      %swap3A_591 = arith.constant 0 : i32
      %swap3A_592 = arith.index_cast %swap3A_591 : i32 to index
      %swap3A_593 = arith.constant 32 : index
      %swap3A_594 = tpu.vector_load %arg6[%swap3A_592, %swap3A_593] {strides = array<i32>} : memref<4x128xi32, #tpu.memory_space<vmem>>, vector<16xi32>,
      tpu.vector_store %arg6[%swap3A_592, %swap3A_593], %broadcast_in_dim3A_1 {strides = array<i32>} : memref<4x128xi32, #tpu.memory_space<vmem>>, vector<16xi32>,
      %swap3A_595 = arith.constant 0 : i32
      %swap3A_596 = arith.index_cast %swap3A_595 : i32 to index
      %swap3A_597 = arith.constant 48 : index
      %swap3A_598 = tpu.vector_load %arg6[%swap3A_596, %swap3A_597] {strides = array<i32>} : memref<4x128xi32, #tpu.memory_space<vmem>>, vector<16xi32>,
      tpu.vector_store %arg6[%swap3A_596, %swap3A_597], %broadcast_in_dim3A_1 {strides = array<i32>} : memref<4x128xi32, #tpu.memory_space<vmem>>, vector<16xi32>,
      %swap3A_599 = arith.constant 0 : i32
      %swap3A_600 = arith.index_cast %swap3A_599 : i32 to index
      %swap3A_601 = arith.constant 64 : index
      %swap3A_602 = tpu.vector_load %arg6[%swap3A_600, %swap3A_601] {strides = array<i32>} : memref<4x128xi32, #tpu.memory_space<vmem>>, vector<16xi32>,
      tpu.vector_store %arg6[%swap3A_600, %swap3A_601], %broadcast_in_dim3A_1 {strides = array<i32>} : memref<4x128xi32, #tpu.memory_space<vmem>>, vector<16xi32>,
      %swap3A_603 = arith.constant 0 : i32
      %swap3A_604 = arith.index_cast %swap3A_603 : i32 to index
      %swap3A_605 = arith.constant 80 : index
      %swap3A_606 = tpu.vector_load %arg6[%swap3A_604, %swap3A_605] {strides = array<i32>} : memref<4x128xi32, #tpu.memory_space<vmem>>, vector<16xi32>,
      tpu.vector_store %arg6[%swap3A_604, %swap3A_605], %broadcast_in_dim3A_1 {strides = array<i32>} : memref<4x128xi32, #tpu.memory_space<vmem>>, vector<16xi32>,
      %swap3A_607 = arith.constant 0 : i32
      %swap3A_608 = arith.index_cast %swap3A_607 : i32 to index
      %swap3A_609 = arith.constant 96 : index
      %swap3A_610 = tpu.vector_load %arg6[%swap3A_608, %swap3A_609] {strides = array<i32>} : memref<4x128xi32, #tpu.memory_space<vmem>>, vector<16xi32>,
      tpu.vector_store %arg6[%swap3A_608, %swap3A_609], %broadcast_in_dim3A_1 {strides = array<i32>} : memref<4x128xi32, #tpu.memory_space<vmem>>, vector<16xi32>,
      %swap3A_611 = arith.constant 0 : i32
      %swap3A_612 = arith.index_cast %swap3A_611 : i32 to index
      %swap3A_613 = arith.constant 112 : index
      %swap3A_614 = tpu.vector_load %arg6[%swap3A_612, %swap3A_613] {strides = array<i32>} : memref<4x128xi32, #tpu.memory_space<vmem>>, vector<16xi32>,
      tpu.vector_store %arg6[%swap3A_612, %swap3A_613], %broadcast_in_dim3A_1 {strides = array<i32>} : memref<4x128xi32, #tpu.memory_space<vmem>>, vector<16xi32>,
      %swap3A_615 = arith.constant 1 : i32
      %swap3A_616 = arith.index_cast %swap3A_615 : i32 to index
      %swap3A_617 = arith.constant 0 : index
      %swap3A_618 = tpu.vector_load %arg6[%swap3A_616, %swap3A_617] {strides = array<i32>} : memref<4x128xi32, #tpu.memory_space<vmem>>, vector<16xi32>,
      tpu.vector_store %arg6[%swap3A_616, %swap3A_617], %broadcast_in_dim3A_1 {strides = array<i32>} : memref<4x128xi32, #tpu.memory_space<vmem>>, vector<16xi32>,
      %swap3A_619 = arith.constant 1 : i32
      %swap3A_620 = arith.index_cast %swap3A_619 : i32 to index
      %swap3A_621 = arith.constant 16 : index
      %swap3A_622 = tpu.vector_load %arg6[%swap3A_620, %swap3A_621] {strides = array<i32>} : memref<4x128xi32, #tpu.memory_space<vmem>>, vector<16xi32>,
      tpu.vector_store %arg6[%swap3A_620, %swap3A_621], %broadcast_in_dim3A_1 {strides = array<i32>} : memref<4x128xi32, #tpu.memory_space<vmem>>, vector<16xi32>,
      %swap3A_623 = arith.constant 1 : i32
      %swap3A_624 = arith.index_cast %swap3A_623 : i32 to index
      %swap3A_625 = arith.constant 32 : index
      %swap3A_626 = tpu.vector_load %arg6[%swap3A_624, %swap3A_625] {strides = array<i32>} : memref<4x128xi32, #tpu.memory_space<vmem>>, vector<16xi32>,
      tpu.vector_store %arg6[%swap3A_624, %swap3A_625], %broadcast_in_dim3A_1 {strides = array<i32>} : memref<4x128xi32, #tpu.memory_space<vmem>>, vector<16xi32>,
      %swap3A_627 = arith.constant 1 : i32
      %swap3A_628 = arith.index_cast %swap3A_627 : i32 to index
      %swap3A_629 = arith.constant 48 : index
      %swap3A_630 = tpu.vector_load %arg6[%swap3A_628, %swap3A_629] {strides = array<i32>} : memref<4x128xi32, #tpu.memory_space<vmem>>, vector<16xi32>,
      tpu.vector_store %arg6[%swap3A_628, %swap3A_629], %broadcast_in_dim3A_1 {strides = array<i32>} : memref<4x128xi32, #tpu.memory_space<vmem>>, vector<16xi32>,
      %swap3A_631 = arith.constant 1 : i32
      %swap3A_632 = arith.index_cast %swap3A_631 : i32 to index
      %swap3A_633 = arith.constant 64 : index
      %swap3A_634 = tpu.vector_load %arg6[%swap3A_632, %swap3A_633] {strides = array<i32>} : memref<4x128xi32, #tpu.memory_space<vmem>>, vector<16xi32>,
      tpu.vector_store %arg6[%swap3A_632, %swap3A_633], %broadcast_in_dim3A_1 {strides = array<i32>} : memref<4x128xi32, #tpu.memory_space<vmem>>, vector<16xi32>,
      %swap3A_635 = arith.constant 1 : i32
      %swap3A_636 = arith.index_cast %swap3A_635 : i32 to index
      %swap3A_637 = arith.constant 80 : index
      %swap3A_638 = tpu.vector_load %arg6[%swap3A_636, %swap3A_637] {strides = array<i32>} : memref<4x128xi32, #tpu.memory_space<vmem>>, vector<16xi32>,
      tpu.vector_store %arg6[%swap3A_636, %swap3A_637], %broadcast_in_dim3A_1 {strides = array<i32>} : memref<4x128xi32, #tpu.memory_space<vmem>>, vector<16xi32>,
      %swap3A_639 = arith.constant 1 : i32
      %swap3A_640 = arith.index_cast %swap3A_639 : i32 to index
      %swap3A_641 = arith.constant 96 : index
      %swap3A_642 = tpu.vector_load %arg6[%swap3A_640, %swap3A_641] {strides = array<i32>} : memref<4x128xi32, #tpu.memory_space<vmem>>, vector<16xi32>,
      tpu.vector_store %arg6[%swap3A_640, %swap3A_641], %broadcast_in_dim3A_1 {strides = array<i32>} : memref<4x128xi32, #tpu.memory_space<vmem>>, vector<16xi32>,
      %swap3A_643 = arith.constant 1 : i32
      %swap3A_644 = arith.index_cast %swap3A_643 : i32 to index
      %swap3A_645 = arith.constant 112 : index
      %swap3A_646 = tpu.vector_load %arg6[%swap3A_644, %swap3A_645] {strides = array<i32>} : memref<4x128xi32, #tpu.memory_space<vmem>>, vector<16xi32>,
      tpu.vector_store %arg6[%swap3A_644, %swap3A_645], %broadcast_in_dim3A_1 {strides = array<i32>} : memref<4x128xi32, #tpu.memory_space<vmem>>, vector<16xi32>,
      %swap3A_647 = arith.constant 2 : i32
      %swap3A_648 = arith.index_cast %swap3A_647 : i32 to index
      %swap3A_649 = arith.constant 0 : index
      %swap3A_650 = tpu.vector_load %arg6[%swap3A_648, %swap3A_649] {strides = array<i32>} : memref<4x128xi32, #tpu.memory_space<vmem>>, vector<16xi32>,
      tpu.vector_store %arg6[%swap3A_648, %swap3A_649], %broadcast_in_dim3A_1 {strides = array<i32>} : memref<4x128xi32, #tpu.memory_space<vmem>>, vector<16xi32>,
      %swap3A_651 = arith.constant 2 : i32
      %swap3A_652 = arith.index_cast %swap3A_651 : i32 to index
      %swap3A_653 = arith.constant 16 : index
      %swap3A_654 = tpu.vector_load %arg6[%swap3A_652, %swap3A_653] {strides = array<i32>} : memref<4x128xi32, #tpu.memory_space<vmem>>, vector<16xi32>,
      tpu.vector_store %arg6[%swap3A_652, %swap3A_653], %broadcast_in_dim3A_1 {strides = array<i32>} : memref<4x128xi32, #tpu.memory_space<vmem>>, vector<16xi32>,
      %swap3A_655 = arith.constant 2 : i32
      %swap3A_656 = arith.index_cast %swap3A_655 : i32 to index
      %swap3A_657 = arith.constant 32 : index
      %swap3A_658 = tpu.vector_load %arg6[%swap3A_656, %swap3A_657] {strides = array<i32>} : memref<4x128xi32, #tpu.memory_space<vmem>>, vector<16xi32>,
      tpu.vector_store %arg6[%swap3A_656, %swap3A_657], %broadcast_in_dim3A_1 {strides = array<i32>} : memref<4x128xi32, #tpu.memory_space<vmem>>, vector<16xi32>,
      %swap3A_659 = arith.constant 2 : i32
      %swap3A_660 = arith.index_cast %swap3A_659 : i32 to index
      %swap3A_661 = arith.constant 48 : index
      %swap3A_662 = tpu.vector_load %arg6[%swap3A_660, %swap3A_661] {strides = array<i32>} : memref<4x128xi32, #tpu.memory_space<vmem>>, vector<16xi32>,
      tpu.vector_store %arg6[%swap3A_660, %swap3A_661], %broadcast_in_dim3A_1 {strides = array<i32>} : memref<4x128xi32, #tpu.memory_space<vmem>>, vector<16xi32>,
      %swap3A_663 = arith.constant 2 : i32
      %swap3A_664 = arith.index_cast %swap3A_663 : i32 to index
      %swap3A_665 = arith.constant 64 : index
      %swap3A_666 = tpu.vector_load %arg6[%swap3A_664, %swap3A_665] {strides = array<i32>} : memref<4x128xi32, #tpu.memory_space<vmem>>, vector<16xi32>,
      tpu.vector_store %arg6[%swap3A_664, %swap3A_665], %broadcast_in_dim3A_1 {strides = array<i32>} : memref<4x128xi32, #tpu.memory_space<vmem>>, vector<16xi32>,
      %swap3A_667 = arith.constant 2 : i32
      %swap3A_668 = arith.index_cast %swap3A_667 : i32 to index
      %swap3A_669 = arith.constant 80 : index
      %swap3A_670 = tpu.vector_load %arg6[%swap3A_668, %swap3A_669] {strides = array<i32>} : memref<4x128xi32, #tpu.memory_space<vmem>>, vector<16xi32>,
      tpu.vector_store %arg6[%swap3A_668, %swap3A_669], %broadcast_in_dim3A_1 {strides = array<i32>} : memref<4x128xi32, #tpu.memory_space<vmem>>, vector<16xi32>,
      %swap3A_671 = arith.constant 2 : i32
      %swap3A_672 = arith.index_cast %swap3A_671 : i32 to index
      %swap3A_673 = arith.constant 96 : index
      %swap3A_674 = tpu.vector_load %arg6[%swap3A_672, %swap3A_673] {strides = array<i32>} : memref<4x128xi32, #tpu.memory_space<vmem>>, vector<16xi32>,
      tpu.vector_store %arg6[%swap3A_672, %swap3A_673], %broadcast_in_dim3A_1 {strides = array<i32>} : memref<4x128xi32, #tpu.memory_space<vmem>>, vector<16xi32>,
      %swap3A_675 = arith.constant 2 : i32
      %swap3A_676 = arith.index_cast %swap3A_675 : i32 to index
      %swap3A_677 = arith.constant 112 : index
      %swap3A_678 = tpu.vector_load %arg6[%swap3A_676, %swap3A_677] {strides = array<i32>} : memref<4x128xi32, #tpu.memory_space<vmem>>, vector<16xi32>,
      tpu.vector_store %arg6[%swap3A_676, %swap3A_677], %broadcast_in_dim3A_1 {strides = array<i32>} : memref<4x128xi32, #tpu.memory_space<vmem>>, vector<16xi32>,
      %swap3A_679 = arith.constant 3 : i32
      %swap3A_680 = arith.index_cast %swap3A_679 : i32 to index
      %swap3A_681 = arith.constant 0 : index
      %swap3A_682 = tpu.vector_load %arg6[%swap3A_680, %swap3A_681] {strides = array<i32>} : memref<4x128xi32, #tpu.memory_space<vmem>>, vector<16xi32>,
      tpu.vector_store %arg6[%swap3A_680, %swap3A_681], %broadcast_in_dim3A_1 {strides = array<i32>} : memref<4x128xi32, #tpu.memory_space<vmem>>, vector<16xi32>,
      %swap3A_683 = arith.constant 3 : i32
      %swap3A_684 = arith.index_cast %swap3A_683 : i32 to index
      %swap3A_685 = arith.constant 16 : index
      %swap3A_686 = tpu.vector_load %arg6[%swap3A_684, %swap3A_685] {strides = array<i32>} : memref<4x128xi32, #tpu.memory_space<vmem>>, vector<16xi32>,
      tpu.vector_store %arg6[%swap3A_684, %swap3A_685], %broadcast_in_dim3A_1 {strides = array<i32>} : memref<4x128xi32, #tpu.memory_space<vmem>>, vector<16xi32>,
      %swap3A_687 = arith.constant 3 : i32
      %swap3A_688 = arith.index_cast %swap3A_687 : i32 to index
      %swap3A_689 = arith.constant 32 : index
      %swap3A_690 = tpu.vector_load %arg6[%swap3A_688, %swap3A_689] {strides = array<i32>} : memref<4x128xi32, #tpu.memory_space<vmem>>, vector<16xi32>,
      tpu.vector_store %arg6[%swap3A_688, %swap3A_689], %broadcast_in_dim3A_1 {strides = array<i32>} : memref<4x128xi32, #tpu.memory_space<vmem>>, vector<16xi32>,
      %swap3A_691 = arith.constant 3 : i32
      %swap3A_692 = arith.index_cast %swap3A_691 : i32 to index
      %swap3A_693 = arith.constant 48 : index
      %swap3A_694 = tpu.vector_load %arg6[%swap3A_692, %swap3A_693] {strides = array<i32>} : memref<4x128xi32, #tpu.memory_space<vmem>>, vector<16xi32>,
      tpu.vector_store %arg6[%swap3A_692, %swap3A_693], %broadcast_in_dim3A_1 {strides = array<i32>} : memref<4x128xi32, #tpu.memory_space<vmem>>, vector<16xi32>,
      %swap3A_695 = arith.constant 3 : i32
      %swap3A_696 = arith.index_cast %swap3A_695 : i32 to index
      %swap3A_697 = arith.constant 64 : index
      %swap3A_698 = tpu.vector_load %arg6[%swap3A_696, %swap3A_697] {strides = array<i32>} : memref<4x128xi32, #tpu.memory_space<vmem>>, vector<16xi32>,
      tpu.vector_store %arg6[%swap3A_696, %swap3A_697], %broadcast_in_dim3A_1 {strides = array<i32>} : memref<4x128xi32, #tpu.memory_space<vmem>>, vector<16xi32>,
      %swap3A_699 = arith.constant 3 : i32
      %swap3A_700 = arith.index_cast %swap3A_699 : i32 to index
      %swap3A_701 = arith.constant 80 : index
      %swap3A_702 = tpu.vector_load %arg6[%swap3A_700, %swap3A_701] {strides = array<i32>} : memref<4x128xi32, #tpu.memory_space<vmem>>, vector<16xi32>,
      tpu.vector_store %arg6[%swap3A_700, %swap3A_701], %broadcast_in_dim3A_1 {strides = array<i32>} : memref<4x128xi32, #tpu.memory_space<vmem>>, vector<16xi32>,
      %swap3A_703 = arith.constant 3 : i32
      %swap3A_704 = arith.index_cast %swap3A_703 : i32 to index
      %swap3A_705 = arith.constant 96 : index
      %swap3A_706 = tpu.vector_load %arg6[%swap3A_704, %swap3A_705] {strides = array<i32>} : memref<4x128xi32, #tpu.memory_space<vmem>>, vector<16xi32>,
      tpu.vector_store %arg6[%swap3A_704, %swap3A_705], %broadcast_in_dim3A_1 {strides = array<i32>} : memref<4x128xi32, #tpu.memory_space<vmem>>, vector<16xi32>,
      %swap3A_707 = arith.constant 3 : i32
      %swap3A_708 = arith.index_cast %swap3A_707 : i32 to index
      %swap3A_709 = arith.constant 112 : index
      %swap3A_710 = tpu.vector_load %arg6[%swap3A_708, %swap3A_709] {strides = array<i32>} : memref<4x128xi32, #tpu.memory_space<vmem>>, vector<16xi32>,
      tpu.vector_store %arg6[%swap3A_708, %swap3A_709], %broadcast_in_dim3A_1 {strides = array<i32>} : memref<4x128xi32, #tpu.memory_space<vmem>>, vector<16xi32>,
      "tpu.region"() ({
        %run_scoped3A = tpu.sem_alloc : memref<!tpu.dma_semaphore, #tpu.memory_space<semaphore_mem>>
        %dma_start3A_1071 = arith.constant 0 : i32
        %dma_start3A_1072 = arith.constant 0 : i32
        %dma_start3A_1073 = tpu.memref_slice %arg2[%add3A, %dma_start3A_1071, %dma_start3A_1072] : memref<32x4x128xi32, #tpu.memory_space<hbm>> -> memref<1x4x128xi32, #tpu.memory_space<hbm>>
        %dma_start3A_1074 = tpu.memref_squeeze %dma_start3A_1073 : memref<1x4x128xi32, #tpu.memory_space<hbm>> -> memref<4x128xi32, #tpu.memory_space<hbm>>
        %dma_start3A_1075 = arith.constant 0 : i32
        %dma_start3A_1076 = arith.constant 0 : i32
        %dma_start3A_1077 = tpu.memref_slice %arg2[%add3A, %dma_start3A_1075, %dma_start3A_1076] : memref<32x4x128xi32, #tpu.memory_space<hbm>> -> memref<1x4x128xi32, #tpu.memory_space<hbm>>
        %dma_start3A_1078 = tpu.memref_squeeze %dma_start3A_1077 : memref<1x4x128xi32, #tpu.memory_space<hbm>> -> memref<4x128xi32, #tpu.memory_space<hbm>>
        tpu.enqueue_dma source(%dma_start3A_1078 : memref<4x128xi32, #tpu.memory_space<hbm>>) target(%arg6 : memref<4x128xi32, #tpu.memory_space<vmem>>) target_semaphore(%run_scoped3A : memref<!tpu.dma_semaphore, #tpu.memory_space<semaphore_mem>>)
        %dma_wait3A_1079 = arith.constant 0 : i32
        %dma_wait3A_1080 = arith.constant 0 : i32
        %dma_wait3A_1081 = tpu.memref_slice %arg2[%add3A, %dma_wait3A_1079, %dma_wait3A_1080] : memref<32x4x128xi32, #tpu.memory_space<hbm>> -> memref<1x4x128xi32, #tpu.memory_space<hbm>>
        %dma_wait3A_1082 = tpu.memref_squeeze %dma_wait3A_1081 : memref<1x4x128xi32, #tpu.memory_space<hbm>> -> memref<4x128xi32, #tpu.memory_space<hbm>>
        %dma_wait3A_1083 = arith.constant 0 : i32
        %dma_wait3A_1084 = arith.constant 0 : i32
        %dma_wait3A_1085 = tpu.memref_slice %arg2[%add3A, %dma_wait3A_1083, %dma_wait3A_1084] : memref<32x4x128xi32, #tpu.memory_space<hbm>> -> memref<1x4x128xi32, #tpu.memory_space<hbm>>
        %dma_wait3A_1086 = tpu.memref_squeeze %dma_wait3A_1085 : memref<1x4x128xi32, #tpu.memory_space<hbm>> -> memref<4x128xi32, #tpu.memory_space<hbm>>
        tpu.wait_dma2 semaphore(%run_scoped3A : memref<!tpu.dma_semaphore, #tpu.memory_space<semaphore_mem>>) src(%dma_wait3A_1086 : memref<4x128xi32, #tpu.memory_space<hbm>>) dst(%arg6 : memref<4x128xi32, #tpu.memory_space<vmem>>)
        tpu.yield
      }) : () -> ()
      %get3A_711 = arith.constant 0 : i32
      %get3A_712 = arith.index_cast %get3A_711 : i32 to index
      %get3A_713 = arith.constant 0 : index
      %get3A_714 = tpu.vector_load %arg5[%get3A_712, %get3A_713] {strides = array<i32>} : memref<4x128xi32, #tpu.memory_space<vmem>>, vector<16xi32>,
      %get3A_715 = arith.constant 0 : i32
      %get3A_716 = arith.index_cast %get3A_715 : i32 to index
      %get3A_717 = arith.constant 0 : index
      %get3A_718 = tpu.vector_load %arg6[%get3A_716, %get3A_717] {strides = array<i32>} : memref<4x128xi32, #tpu.memory_space<vmem>>, vector<16xi32>,
      %ne3A_719 = arith.cmpi ne, %get3A_714, %get3A_718 : vector<16xi32>
      %select_n3A_720 = arith.select %ne3A_719, %broadcast_in_dim3A_3, %broadcast_in_dim3A_5 : vector<16xi1>, vector<16xi32>
      %or3A_721 = arith.ori %broadcast_in_dim3A_5, %select_n3A_720 : vector<16xi32>
      %get3A_722 = arith.constant 0 : i32
      %get3A_723 = arith.index_cast %get3A_722 : i32 to index
      %get3A_724 = arith.constant 16 : index
      %get3A_725 = tpu.vector_load %arg5[%get3A_723, %get3A_724] {strides = array<i32>} : memref<4x128xi32, #tpu.memory_space<vmem>>, vector<16xi32>,
      %get3A_726 = arith.constant 0 : i32
      %get3A_727 = arith.index_cast %get3A_726 : i32 to index
      %get3A_728 = arith.constant 16 : index
      %get3A_729 = tpu.vector_load %arg6[%get3A_727, %get3A_728] {strides = array<i32>} : memref<4x128xi32, #tpu.memory_space<vmem>>, vector<16xi32>,
      %ne3A_730 = arith.cmpi ne, %get3A_725, %get3A_729 : vector<16xi32>
      %select_n3A_731 = arith.select %ne3A_730, %broadcast_in_dim3A_3, %broadcast_in_dim3A_5 : vector<16xi1>, vector<16xi32>
      %or3A_732 = arith.ori %or3A_721, %select_n3A_731 : vector<16xi32>
      %get3A_733 = arith.constant 0 : i32
      %get3A_734 = arith.index_cast %get3A_733 : i32 to index
      %get3A_735 = arith.constant 32 : index
      %get3A_736 = tpu.vector_load %arg5[%get3A_734, %get3A_735] {strides = array<i32>} : memref<4x128xi32, #tpu.memory_space<vmem>>, vector<16xi32>,
      %get3A_737 = arith.constant 0 : i32
      %get3A_738 = arith.index_cast %get3A_737 : i32 to index
      %get3A_739 = arith.constant 32 : index
      %get3A_740 = tpu.vector_load %arg6[%get3A_738, %get3A_739] {strides = array<i32>} : memref<4x128xi32, #tpu.memory_space<vmem>>, vector<16xi32>,
      %ne3A_741 = arith.cmpi ne, %get3A_736, %get3A_740 : vector<16xi32>
      %select_n3A_742 = arith.select %ne3A_741, %broadcast_in_dim3A_3, %broadcast_in_dim3A_5 : vector<16xi1>, vector<16xi32>
      %or3A_743 = arith.ori %or3A_732, %select_n3A_742 : vector<16xi32>
      %get3A_744 = arith.constant 0 : i32
      %get3A_745 = arith.index_cast %get3A_744 : i32 to index
      %get3A_746 = arith.constant 48 : index
      %get3A_747 = tpu.vector_load %arg5[%get3A_745, %get3A_746] {strides = array<i32>} : memref<4x128xi32, #tpu.memory_space<vmem>>, vector<16xi32>,
      %get3A_748 = arith.constant 0 : i32
      %get3A_749 = arith.index_cast %get3A_748 : i32 to index
      %get3A_750 = arith.constant 48 : index
      %get3A_751 = tpu.vector_load %arg6[%get3A_749, %get3A_750] {strides = array<i32>} : memref<4x128xi32, #tpu.memory_space<vmem>>, vector<16xi32>,
      %ne3A_752 = arith.cmpi ne, %get3A_747, %get3A_751 : vector<16xi32>
      %select_n3A_753 = arith.select %ne3A_752, %broadcast_in_dim3A_3, %broadcast_in_dim3A_5 : vector<16xi1>, vector<16xi32>
      %or3A_754 = arith.ori %or3A_743, %select_n3A_753 : vector<16xi32>
      %get3A_755 = arith.constant 0 : i32
      %get3A_756 = arith.index_cast %get3A_755 : i32 to index
      %get3A_757 = arith.constant 64 : index
      %get3A_758 = tpu.vector_load %arg5[%get3A_756, %get3A_757] {strides = array<i32>} : memref<4x128xi32, #tpu.memory_space<vmem>>, vector<16xi32>,
      %get3A_759 = arith.constant 0 : i32
      %get3A_760 = arith.index_cast %get3A_759 : i32 to index
      %get3A_761 = arith.constant 64 : index
      %get3A_762 = tpu.vector_load %arg6[%get3A_760, %get3A_761] {strides = array<i32>} : memref<4x128xi32, #tpu.memory_space<vmem>>, vector<16xi32>,
      %ne3A_763 = arith.cmpi ne, %get3A_758, %get3A_762 : vector<16xi32>
      %select_n3A_764 = arith.select %ne3A_763, %broadcast_in_dim3A_3, %broadcast_in_dim3A_5 : vector<16xi1>, vector<16xi32>
      %or3A_765 = arith.ori %or3A_754, %select_n3A_764 : vector<16xi32>
      %get3A_766 = arith.constant 0 : i32
      %get3A_767 = arith.index_cast %get3A_766 : i32 to index
      %get3A_768 = arith.constant 80 : index
      %get3A_769 = tpu.vector_load %arg5[%get3A_767, %get3A_768] {strides = array<i32>} : memref<4x128xi32, #tpu.memory_space<vmem>>, vector<16xi32>,
      %get3A_770 = arith.constant 0 : i32
      %get3A_771 = arith.index_cast %get3A_770 : i32 to index
      %get3A_772 = arith.constant 80 : index
      %get3A_773 = tpu.vector_load %arg6[%get3A_771, %get3A_772] {strides = array<i32>} : memref<4x128xi32, #tpu.memory_space<vmem>>, vector<16xi32>,
      %ne3A_774 = arith.cmpi ne, %get3A_769, %get3A_773 : vector<16xi32>
      %select_n3A_775 = arith.select %ne3A_774, %broadcast_in_dim3A_3, %broadcast_in_dim3A_5 : vector<16xi1>, vector<16xi32>
      %or3A_776 = arith.ori %or3A_765, %select_n3A_775 : vector<16xi32>
      %get3A_777 = arith.constant 0 : i32
      %get3A_778 = arith.index_cast %get3A_777 : i32 to index
      %get3A_779 = arith.constant 96 : index
      %get3A_780 = tpu.vector_load %arg5[%get3A_778, %get3A_779] {strides = array<i32>} : memref<4x128xi32, #tpu.memory_space<vmem>>, vector<16xi32>,
      %get3A_781 = arith.constant 0 : i32
      %get3A_782 = arith.index_cast %get3A_781 : i32 to index
      %get3A_783 = arith.constant 96 : index
      %get3A_784 = tpu.vector_load %arg6[%get3A_782, %get3A_783] {strides = array<i32>} : memref<4x128xi32, #tpu.memory_space<vmem>>, vector<16xi32>,
      %ne3A_785 = arith.cmpi ne, %get3A_780, %get3A_784 : vector<16xi32>
      %select_n3A_786 = arith.select %ne3A_785, %broadcast_in_dim3A_3, %broadcast_in_dim3A_5 : vector<16xi1>, vector<16xi32>
      %or3A_787 = arith.ori %or3A_776, %select_n3A_786 : vector<16xi32>
      %get3A_788 = arith.constant 0 : i32
      %get3A_789 = arith.index_cast %get3A_788 : i32 to index
      %get3A_790 = arith.constant 112 : index
      %get3A_791 = tpu.vector_load %arg5[%get3A_789, %get3A_790] {strides = array<i32>} : memref<4x128xi32, #tpu.memory_space<vmem>>, vector<16xi32>,
      %get3A_792 = arith.constant 0 : i32
      %get3A_793 = arith.index_cast %get3A_792 : i32 to index
      %get3A_794 = arith.constant 112 : index
      %get3A_795 = tpu.vector_load %arg6[%get3A_793, %get3A_794] {strides = array<i32>} : memref<4x128xi32, #tpu.memory_space<vmem>>, vector<16xi32>,
      %ne3A_796 = arith.cmpi ne, %get3A_791, %get3A_795 : vector<16xi32>
      %select_n3A_797 = arith.select %ne3A_796, %broadcast_in_dim3A_3, %broadcast_in_dim3A_5 : vector<16xi1>, vector<16xi32>
      %or3A_798 = arith.ori %or3A_787, %select_n3A_797 : vector<16xi32>
      %get3A_799 = arith.constant 1 : i32
      %get3A_800 = arith.index_cast %get3A_799 : i32 to index
      %get3A_801 = arith.constant 0 : index
      %get3A_802 = tpu.vector_load %arg5[%get3A_800, %get3A_801] {strides = array<i32>} : memref<4x128xi32, #tpu.memory_space<vmem>>, vector<16xi32>,
      %get3A_803 = arith.constant 1 : i32
      %get3A_804 = arith.index_cast %get3A_803 : i32 to index
      %get3A_805 = arith.constant 0 : index
      %get3A_806 = tpu.vector_load %arg6[%get3A_804, %get3A_805] {strides = array<i32>} : memref<4x128xi32, #tpu.memory_space<vmem>>, vector<16xi32>,
      %ne3A_807 = arith.cmpi ne, %get3A_802, %get3A_806 : vector<16xi32>
      %select_n3A_808 = arith.select %ne3A_807, %broadcast_in_dim3A_3, %broadcast_in_dim3A_5 : vector<16xi1>, vector<16xi32>
      %or3A_809 = arith.ori %or3A_798, %select_n3A_808 : vector<16xi32>
      %get3A_810 = arith.constant 1 : i32
      %get3A_811 = arith.index_cast %get3A_810 : i32 to index
      %get3A_812 = arith.constant 16 : index
      %get3A_813 = tpu.vector_load %arg5[%get3A_811, %get3A_812] {strides = array<i32>} : memref<4x128xi32, #tpu.memory_space<vmem>>, vector<16xi32>,
      %get3A_814 = arith.constant 1 : i32
      %get3A_815 = arith.index_cast %get3A_814 : i32 to index
      %get3A_816 = arith.constant 16 : index
      %get3A_817 = tpu.vector_load %arg6[%get3A_815, %get3A_816] {strides = array<i32>} : memref<4x128xi32, #tpu.memory_space<vmem>>, vector<16xi32>,
      %ne3A_818 = arith.cmpi ne, %get3A_813, %get3A_817 : vector<16xi32>
      %select_n3A_819 = arith.select %ne3A_818, %broadcast_in_dim3A_3, %broadcast_in_dim3A_5 : vector<16xi1>, vector<16xi32>
      %or3A_820 = arith.ori %or3A_809, %select_n3A_819 : vector<16xi32>
      %get3A_821 = arith.constant 1 : i32
      %get3A_822 = arith.index_cast %get3A_821 : i32 to index
      %get3A_823 = arith.constant 32 : index
      %get3A_824 = tpu.vector_load %arg5[%get3A_822, %get3A_823] {strides = array<i32>} : memref<4x128xi32, #tpu.memory_space<vmem>>, vector<16xi32>,
      %get3A_825 = arith.constant 1 : i32
      %get3A_826 = arith.index_cast %get3A_825 : i32 to index
      %get3A_827 = arith.constant 32 : index
      %get3A_828 = tpu.vector_load %arg6[%get3A_826, %get3A_827] {strides = array<i32>} : memref<4x128xi32, #tpu.memory_space<vmem>>, vector<16xi32>,
      %ne3A_829 = arith.cmpi ne, %get3A_824, %get3A_828 : vector<16xi32>
      %select_n3A_830 = arith.select %ne3A_829, %broadcast_in_dim3A_3, %broadcast_in_dim3A_5 : vector<16xi1>, vector<16xi32>
      %or3A_831 = arith.ori %or3A_820, %select_n3A_830 : vector<16xi32>
      %get3A_832 = arith.constant 1 : i32
      %get3A_833 = arith.index_cast %get3A_832 : i32 to index
      %get3A_834 = arith.constant 48 : index
      %get3A_835 = tpu.vector_load %arg5[%get3A_833, %get3A_834] {strides = array<i32>} : memref<4x128xi32, #tpu.memory_space<vmem>>, vector<16xi32>,
      %get3A_836 = arith.constant 1 : i32
      %get3A_837 = arith.index_cast %get3A_836 : i32 to index
      %get3A_838 = arith.constant 48 : index
      %get3A_839 = tpu.vector_load %arg6[%get3A_837, %get3A_838] {strides = array<i32>} : memref<4x128xi32, #tpu.memory_space<vmem>>, vector<16xi32>,
      %ne3A_840 = arith.cmpi ne, %get3A_835, %get3A_839 : vector<16xi32>
      %select_n3A_841 = arith.select %ne3A_840, %broadcast_in_dim3A_3, %broadcast_in_dim3A_5 : vector<16xi1>, vector<16xi32>
      %or3A_842 = arith.ori %or3A_831, %select_n3A_841 : vector<16xi32>
      %get3A_843 = arith.constant 1 : i32
      %get3A_844 = arith.index_cast %get3A_843 : i32 to index
      %get3A_845 = arith.constant 64 : index
      %get3A_846 = tpu.vector_load %arg5[%get3A_844, %get3A_845] {strides = array<i32>} : memref<4x128xi32, #tpu.memory_space<vmem>>, vector<16xi32>,
      %get3A_847 = arith.constant 1 : i32
      %get3A_848 = arith.index_cast %get3A_847 : i32 to index
      %get3A_849 = arith.constant 64 : index
      %get3A_850 = tpu.vector_load %arg6[%get3A_848, %get3A_849] {strides = array<i32>} : memref<4x128xi32, #tpu.memory_space<vmem>>, vector<16xi32>,
      %ne3A_851 = arith.cmpi ne, %get3A_846, %get3A_850 : vector<16xi32>
      %select_n3A_852 = arith.select %ne3A_851, %broadcast_in_dim3A_3, %broadcast_in_dim3A_5 : vector<16xi1>, vector<16xi32>
      %or3A_853 = arith.ori %or3A_842, %select_n3A_852 : vector<16xi32>
      %get3A_854 = arith.constant 1 : i32
      %get3A_855 = arith.index_cast %get3A_854 : i32 to index
      %get3A_856 = arith.constant 80 : index
      %get3A_857 = tpu.vector_load %arg5[%get3A_855, %get3A_856] {strides = array<i32>} : memref<4x128xi32, #tpu.memory_space<vmem>>, vector<16xi32>,
      %get3A_858 = arith.constant 1 : i32
      %get3A_859 = arith.index_cast %get3A_858 : i32 to index
      %get3A_860 = arith.constant 80 : index
      %get3A_861 = tpu.vector_load %arg6[%get3A_859, %get3A_860] {strides = array<i32>} : memref<4x128xi32, #tpu.memory_space<vmem>>, vector<16xi32>,
      %ne3A_862 = arith.cmpi ne, %get3A_857, %get3A_861 : vector<16xi32>
      %select_n3A_863 = arith.select %ne3A_862, %broadcast_in_dim3A_3, %broadcast_in_dim3A_5 : vector<16xi1>, vector<16xi32>
      %or3A_864 = arith.ori %or3A_853, %select_n3A_863 : vector<16xi32>
      %get3A_865 = arith.constant 1 : i32
      %get3A_866 = arith.index_cast %get3A_865 : i32 to index
      %get3A_867 = arith.constant 96 : index
      %get3A_868 = tpu.vector_load %arg5[%get3A_866, %get3A_867] {strides = array<i32>} : memref<4x128xi32, #tpu.memory_space<vmem>>, vector<16xi32>,
      %get3A_869 = arith.constant 1 : i32
      %get3A_870 = arith.index_cast %get3A_869 : i32 to index
      %get3A_871 = arith.constant 96 : index
      %get3A_872 = tpu.vector_load %arg6[%get3A_870, %get3A_871] {strides = array<i32>} : memref<4x128xi32, #tpu.memory_space<vmem>>, vector<16xi32>,
      %ne3A_873 = arith.cmpi ne, %get3A_868, %get3A_872 : vector<16xi32>
      %select_n3A_874 = arith.select %ne3A_873, %broadcast_in_dim3A_3, %broadcast_in_dim3A_5 : vector<16xi1>, vector<16xi32>
      %or3A_875 = arith.ori %or3A_864, %select_n3A_874 : vector<16xi32>
      %get3A_876 = arith.constant 1 : i32
      %get3A_877 = arith.index_cast %get3A_876 : i32 to index
      %get3A_878 = arith.constant 112 : index
      %get3A_879 = tpu.vector_load %arg5[%get3A_877, %get3A_878] {strides = array<i32>} : memref<4x128xi32, #tpu.memory_space<vmem>>, vector<16xi32>,
      %get3A_880 = arith.constant 1 : i32
      %get3A_881 = arith.index_cast %get3A_880 : i32 to index
      %get3A_882 = arith.constant 112 : index
      %get3A_883 = tpu.vector_load %arg6[%get3A_881, %get3A_882] {strides = array<i32>} : memref<4x128xi32, #tpu.memory_space<vmem>>, vector<16xi32>,
      %ne3A_884 = arith.cmpi ne, %get3A_879, %get3A_883 : vector<16xi32>
      %select_n3A_885 = arith.select %ne3A_884, %broadcast_in_dim3A_3, %broadcast_in_dim3A_5 : vector<16xi1>, vector<16xi32>
      %or3A_886 = arith.ori %or3A_875, %select_n3A_885 : vector<16xi32>
      %get3A_887 = arith.constant 2 : i32
      %get3A_888 = arith.index_cast %get3A_887 : i32 to index
      %get3A_889 = arith.constant 0 : index
      %get3A_890 = tpu.vector_load %arg5[%get3A_888, %get3A_889] {strides = array<i32>} : memref<4x128xi32, #tpu.memory_space<vmem>>, vector<16xi32>,
      %get3A_891 = arith.constant 2 : i32
      %get3A_892 = arith.index_cast %get3A_891 : i32 to index
      %get3A_893 = arith.constant 0 : index
      %get3A_894 = tpu.vector_load %arg6[%get3A_892, %get3A_893] {strides = array<i32>} : memref<4x128xi32, #tpu.memory_space<vmem>>, vector<16xi32>,
      %ne3A_895 = arith.cmpi ne, %get3A_890, %get3A_894 : vector<16xi32>
      %select_n3A_896 = arith.select %ne3A_895, %broadcast_in_dim3A_3, %broadcast_in_dim3A_5 : vector<16xi1>, vector<16xi32>
      %or3A_897 = arith.ori %or3A_886, %select_n3A_896 : vector<16xi32>
      %get3A_898 = arith.constant 2 : i32
      %get3A_899 = arith.index_cast %get3A_898 : i32 to index
      %get3A_900 = arith.constant 16 : index
      %get3A_901 = tpu.vector_load %arg5[%get3A_899, %get3A_900] {strides = array<i32>} : memref<4x128xi32, #tpu.memory_space<vmem>>, vector<16xi32>,
      %get3A_902 = arith.constant 2 : i32
      %get3A_903 = arith.index_cast %get3A_902 : i32 to index
      %get3A_904 = arith.constant 16 : index
      %get3A_905 = tpu.vector_load %arg6[%get3A_903, %get3A_904] {strides = array<i32>} : memref<4x128xi32, #tpu.memory_space<vmem>>, vector<16xi32>,
      %ne3A_906 = arith.cmpi ne, %get3A_901, %get3A_905 : vector<16xi32>
      %select_n3A_907 = arith.select %ne3A_906, %broadcast_in_dim3A_3, %broadcast_in_dim3A_5 : vector<16xi1>, vector<16xi32>
      %or3A_908 = arith.ori %or3A_897, %select_n3A_907 : vector<16xi32>
      %get3A_909 = arith.constant 2 : i32
      %get3A_910 = arith.index_cast %get3A_909 : i32 to index
      %get3A_911 = arith.constant 32 : index
      %get3A_912 = tpu.vector_load %arg5[%get3A_910, %get3A_911] {strides = array<i32>} : memref<4x128xi32, #tpu.memory_space<vmem>>, vector<16xi32>,
      %get3A_913 = arith.constant 2 : i32
      %get3A_914 = arith.index_cast %get3A_913 : i32 to index
      %get3A_915 = arith.constant 32 : index
      %get3A_916 = tpu.vector_load %arg6[%get3A_914, %get3A_915] {strides = array<i32>} : memref<4x128xi32, #tpu.memory_space<vmem>>, vector<16xi32>,
      %ne3A_917 = arith.cmpi ne, %get3A_912, %get3A_916 : vector<16xi32>
      %select_n3A_918 = arith.select %ne3A_917, %broadcast_in_dim3A_3, %broadcast_in_dim3A_5 : vector<16xi1>, vector<16xi32>
      %or3A_919 = arith.ori %or3A_908, %select_n3A_918 : vector<16xi32>
      %get3A_920 = arith.constant 2 : i32
      %get3A_921 = arith.index_cast %get3A_920 : i32 to index
      %get3A_922 = arith.constant 48 : index
      %get3A_923 = tpu.vector_load %arg5[%get3A_921, %get3A_922] {strides = array<i32>} : memref<4x128xi32, #tpu.memory_space<vmem>>, vector<16xi32>,
      %get3A_924 = arith.constant 2 : i32
      %get3A_925 = arith.index_cast %get3A_924 : i32 to index
      %get3A_926 = arith.constant 48 : index
      %get3A_927 = tpu.vector_load %arg6[%get3A_925, %get3A_926] {strides = array<i32>} : memref<4x128xi32, #tpu.memory_space<vmem>>, vector<16xi32>,
      %ne3A_928 = arith.cmpi ne, %get3A_923, %get3A_927 : vector<16xi32>
      %select_n3A_929 = arith.select %ne3A_928, %broadcast_in_dim3A_3, %broadcast_in_dim3A_5 : vector<16xi1>, vector<16xi32>
      %or3A_930 = arith.ori %or3A_919, %select_n3A_929 : vector<16xi32>
      %get3A_931 = arith.constant 2 : i32
      %get3A_932 = arith.index_cast %get3A_931 : i32 to index
      %get3A_933 = arith.constant 64 : index
      %get3A_934 = tpu.vector_load %arg5[%get3A_932, %get3A_933] {strides = array<i32>} : memref<4x128xi32, #tpu.memory_space<vmem>>, vector<16xi32>,
      %get3A_935 = arith.constant 2 : i32
      %get3A_936 = arith.index_cast %get3A_935 : i32 to index
      %get3A_937 = arith.constant 64 : index
      %get3A_938 = tpu.vector_load %arg6[%get3A_936, %get3A_937] {strides = array<i32>} : memref<4x128xi32, #tpu.memory_space<vmem>>, vector<16xi32>,
      %ne3A_939 = arith.cmpi ne, %get3A_934, %get3A_938 : vector<16xi32>
      %select_n3A_940 = arith.select %ne3A_939, %broadcast_in_dim3A_3, %broadcast_in_dim3A_5 : vector<16xi1>, vector<16xi32>
      %or3A_941 = arith.ori %or3A_930, %select_n3A_940 : vector<16xi32>
      %get3A_942 = arith.constant 2 : i32
      %get3A_943 = arith.index_cast %get3A_942 : i32 to index
      %get3A_944 = arith.constant 80 : index
      %get3A_945 = tpu.vector_load %arg5[%get3A_943, %get3A_944] {strides = array<i32>} : memref<4x128xi32, #tpu.memory_space<vmem>>, vector<16xi32>,
      %get3A_946 = arith.constant 2 : i32
      %get3A_947 = arith.index_cast %get3A_946 : i32 to index
      %get3A_948 = arith.constant 80 : index
      %get3A_949 = tpu.vector_load %arg6[%get3A_947, %get3A_948] {strides = array<i32>} : memref<4x128xi32, #tpu.memory_space<vmem>>, vector<16xi32>,
      %ne3A_950 = arith.cmpi ne, %get3A_945, %get3A_949 : vector<16xi32>
      %select_n3A_951 = arith.select %ne3A_950, %broadcast_in_dim3A_3, %broadcast_in_dim3A_5 : vector<16xi1>, vector<16xi32>
      %or3A_952 = arith.ori %or3A_941, %select_n3A_951 : vector<16xi32>
      %get3A_953 = arith.constant 2 : i32
      %get3A_954 = arith.index_cast %get3A_953 : i32 to index
      %get3A_955 = arith.constant 96 : index
      %get3A_956 = tpu.vector_load %arg5[%get3A_954, %get3A_955] {strides = array<i32>} : memref<4x128xi32, #tpu.memory_space<vmem>>, vector<16xi32>,
      %get3A_957 = arith.constant 2 : i32
      %get3A_958 = arith.index_cast %get3A_957 : i32 to index
      %get3A_959 = arith.constant 96 : index
      %get3A_960 = tpu.vector_load %arg6[%get3A_958, %get3A_959] {strides = array<i32>} : memref<4x128xi32, #tpu.memory_space<vmem>>, vector<16xi32>,
      %ne3A_961 = arith.cmpi ne, %get3A_956, %get3A_960 : vector<16xi32>
      %select_n3A_962 = arith.select %ne3A_961, %broadcast_in_dim3A_3, %broadcast_in_dim3A_5 : vector<16xi1>, vector<16xi32>
      %or3A_963 = arith.ori %or3A_952, %select_n3A_962 : vector<16xi32>
      %get3A_964 = arith.constant 2 : i32
      %get3A_965 = arith.index_cast %get3A_964 : i32 to index
      %get3A_966 = arith.constant 112 : index
      %get3A_967 = tpu.vector_load %arg5[%get3A_965, %get3A_966] {strides = array<i32>} : memref<4x128xi32, #tpu.memory_space<vmem>>, vector<16xi32>,
      %get3A_968 = arith.constant 2 : i32
      %get3A_969 = arith.index_cast %get3A_968 : i32 to index
      %get3A_970 = arith.constant 112 : index
      %get3A_971 = tpu.vector_load %arg6[%get3A_969, %get3A_970] {strides = array<i32>} : memref<4x128xi32, #tpu.memory_space<vmem>>, vector<16xi32>,
      %ne3A_972 = arith.cmpi ne, %get3A_967, %get3A_971 : vector<16xi32>
      %select_n3A_973 = arith.select %ne3A_972, %broadcast_in_dim3A_3, %broadcast_in_dim3A_5 : vector<16xi1>, vector<16xi32>
      %or3A_974 = arith.ori %or3A_963, %select_n3A_973 : vector<16xi32>
      %get3A_975 = arith.constant 3 : i32
      %get3A_976 = arith.index_cast %get3A_975 : i32 to index
      %get3A_977 = arith.constant 0 : index
      %get3A_978 = tpu.vector_load %arg5[%get3A_976, %get3A_977] {strides = array<i32>} : memref<4x128xi32, #tpu.memory_space<vmem>>, vector<16xi32>,
      %get3A_979 = arith.constant 3 : i32
      %get3A_980 = arith.index_cast %get3A_979 : i32 to index
      %get3A_981 = arith.constant 0 : index
      %get3A_982 = tpu.vector_load %arg6[%get3A_980, %get3A_981] {strides = array<i32>} : memref<4x128xi32, #tpu.memory_space<vmem>>, vector<16xi32>,
      %ne3A_983 = arith.cmpi ne, %get3A_978, %get3A_982 : vector<16xi32>
      %select_n3A_984 = arith.select %ne3A_983, %broadcast_in_dim3A_3, %broadcast_in_dim3A_5 : vector<16xi1>, vector<16xi32>
      %or3A_985 = arith.ori %or3A_974, %select_n3A_984 : vector<16xi32>
      %get3A_986 = arith.constant 3 : i32
      %get3A_987 = arith.index_cast %get3A_986 : i32 to index
      %get3A_988 = arith.constant 16 : index
      %get3A_989 = tpu.vector_load %arg5[%get3A_987, %get3A_988] {strides = array<i32>} : memref<4x128xi32, #tpu.memory_space<vmem>>, vector<16xi32>,
      %get3A_990 = arith.constant 3 : i32
      %get3A_991 = arith.index_cast %get3A_990 : i32 to index
      %get3A_992 = arith.constant 16 : index
      %get3A_993 = tpu.vector_load %arg6[%get3A_991, %get3A_992] {strides = array<i32>} : memref<4x128xi32, #tpu.memory_space<vmem>>, vector<16xi32>,
      %ne3A_994 = arith.cmpi ne, %get3A_989, %get3A_993 : vector<16xi32>
      %select_n3A_995 = arith.select %ne3A_994, %broadcast_in_dim3A_3, %broadcast_in_dim3A_5 : vector<16xi1>, vector<16xi32>
      %or3A_996 = arith.ori %or3A_985, %select_n3A_995 : vector<16xi32>
      %get3A_997 = arith.constant 3 : i32
      %get3A_998 = arith.index_cast %get3A_997 : i32 to index
      %get3A_999 = arith.constant 32 : index
      %get3A_1000 = tpu.vector_load %arg5[%get3A_998, %get3A_999] {strides = array<i32>} : memref<4x128xi32, #tpu.memory_space<vmem>>, vector<16xi32>,
      %get3A_1001 = arith.constant 3 : i32
      %get3A_1002 = arith.index_cast %get3A_1001 : i32 to index
      %get3A_1003 = arith.constant 32 : index
      %get3A_1004 = tpu.vector_load %arg6[%get3A_1002, %get3A_1003] {strides = array<i32>} : memref<4x128xi32, #tpu.memory_space<vmem>>, vector<16xi32>,
      %ne3A_1005 = arith.cmpi ne, %get3A_1000, %get3A_1004 : vector<16xi32>
      %select_n3A_1006 = arith.select %ne3A_1005, %broadcast_in_dim3A_3, %broadcast_in_dim3A_5 : vector<16xi1>, vector<16xi32>
      %or3A_1007 = arith.ori %or3A_996, %select_n3A_1006 : vector<16xi32>
      %get3A_1008 = arith.constant 3 : i32
      %get3A_1009 = arith.index_cast %get3A_1008 : i32 to index
      %get3A_1010 = arith.constant 48 : index
      %get3A_1011 = tpu.vector_load %arg5[%get3A_1009, %get3A_1010] {strides = array<i32>} : memref<4x128xi32, #tpu.memory_space<vmem>>, vector<16xi32>,
      %get3A_1012 = arith.constant 3 : i32
      %get3A_1013 = arith.index_cast %get3A_1012 : i32 to index
      %get3A_1014 = arith.constant 48 : index
      %get3A_1015 = tpu.vector_load %arg6[%get3A_1013, %get3A_1014] {strides = array<i32>} : memref<4x128xi32, #tpu.memory_space<vmem>>, vector<16xi32>,
      %ne3A_1016 = arith.cmpi ne, %get3A_1011, %get3A_1015 : vector<16xi32>
      %select_n3A_1017 = arith.select %ne3A_1016, %broadcast_in_dim3A_3, %broadcast_in_dim3A_5 : vector<16xi1>, vector<16xi32>
      %or3A_1018 = arith.ori %or3A_1007, %select_n3A_1017 : vector<16xi32>
      %get3A_1019 = arith.constant 3 : i32
      %get3A_1020 = arith.index_cast %get3A_1019 : i32 to index
      %get3A_1021 = arith.constant 64 : index
      %get3A_1022 = tpu.vector_load %arg5[%get3A_1020, %get3A_1021] {strides = array<i32>} : memref<4x128xi32, #tpu.memory_space<vmem>>, vector<16xi32>,
      %get3A_1023 = arith.constant 3 : i32
      %get3A_1024 = arith.index_cast %get3A_1023 : i32 to index
      %get3A_1025 = arith.constant 64 : index
      %get3A_1026 = tpu.vector_load %arg6[%get3A_1024, %get3A_1025] {strides = array<i32>} : memref<4x128xi32, #tpu.memory_space<vmem>>, vector<16xi32>,
      %ne3A_1027 = arith.cmpi ne, %get3A_1022, %get3A_1026 : vector<16xi32>
      %select_n3A_1028 = arith.select %ne3A_1027, %broadcast_in_dim3A_3, %broadcast_in_dim3A_5 : vector<16xi1>, vector<16xi32>
      %or3A_1029 = arith.ori %or3A_1018, %select_n3A_1028 : vector<16xi32>
      %get3A_1030 = arith.constant 3 : i32
      %get3A_1031 = arith.index_cast %get3A_1030 : i32 to index
      %get3A_1032 = arith.constant 80 : index
      %get3A_1033 = tpu.vector_load %arg5[%get3A_1031, %get3A_1032] {strides = array<i32>} : memref<4x128xi32, #tpu.memory_space<vmem>>, vector<16xi32>,
      %get3A_1034 = arith.constant 3 : i32
      %get3A_1035 = arith.index_cast %get3A_1034 : i32 to index
      %get3A_1036 = arith.constant 80 : index
      %get3A_1037 = tpu.vector_load %arg6[%get3A_1035, %get3A_1036] {strides = array<i32>} : memref<4x128xi32, #tpu.memory_space<vmem>>, vector<16xi32>,
      %ne3A_1038 = arith.cmpi ne, %get3A_1033, %get3A_1037 : vector<16xi32>
      %select_n3A_1039 = arith.select %ne3A_1038, %broadcast_in_dim3A_3, %broadcast_in_dim3A_5 : vector<16xi1>, vector<16xi32>
      %or3A_1040 = arith.ori %or3A_1029, %select_n3A_1039 : vector<16xi32>
      %get3A_1041 = arith.constant 3 : i32
      %get3A_1042 = arith.index_cast %get3A_1041 : i32 to index
      %get3A_1043 = arith.constant 96 : index
      %get3A_1044 = tpu.vector_load %arg5[%get3A_1042, %get3A_1043] {strides = array<i32>} : memref<4x128xi32, #tpu.memory_space<vmem>>, vector<16xi32>,
      %get3A_1045 = arith.constant 3 : i32
      %get3A_1046 = arith.index_cast %get3A_1045 : i32 to index
      %get3A_1047 = arith.constant 96 : index
      %get3A_1048 = tpu.vector_load %arg6[%get3A_1046, %get3A_1047] {strides = array<i32>} : memref<4x128xi32, #tpu.memory_space<vmem>>, vector<16xi32>,
      %ne3A_1049 = arith.cmpi ne, %get3A_1044, %get3A_1048 : vector<16xi32>
      %select_n3A_1050 = arith.select %ne3A_1049, %broadcast_in_dim3A_3, %broadcast_in_dim3A_5 : vector<16xi1>, vector<16xi32>
      %or3A_1051 = arith.ori %or3A_1040, %select_n3A_1050 : vector<16xi32>
      %get3A_1052 = arith.constant 3 : i32
      %get3A_1053 = arith.index_cast %get3A_1052 : i32 to index
      %get3A_1054 = arith.constant 112 : index
      %get3A_1055 = tpu.vector_load %arg5[%get3A_1053, %get3A_1054] {strides = array<i32>} : memref<4x128xi32, #tpu.memory_space<vmem>>, vector<16xi32>,
      %get3A_1056 = arith.constant 3 : i32
      %get3A_1057 = arith.index_cast %get3A_1056 : i32 to index
      %get3A_1058 = arith.constant 112 : index
      %get3A_1059 = tpu.vector_load %arg6[%get3A_1057, %get3A_1058] {strides = array<i32>} : memref<4x128xi32, #tpu.memory_space<vmem>>, vector<16xi32>,
      %ne3A_1060 = arith.cmpi ne, %get3A_1055, %get3A_1059 : vector<16xi32>
      %select_n3A_1061 = arith.select %ne3A_1060, %broadcast_in_dim3A_3, %broadcast_in_dim3A_5 : vector<16xi1>, vector<16xi32>
      %or3A_1062 = arith.ori %or3A_1051, %select_n3A_1061 : vector<16xi32>
      %reduce_max3A_1063 = arith.constant true
      %reduce_max3A_1064 = vector.broadcast %reduce_max3A_1063 : i1 to vector<16xi1>
      %reduce_max3A_1065 = arith.constant -2147483648 : i32
      %reduce_max3A_1066 = vector.broadcast %reduce_max3A_1065 : i32 to vector<16xi32>
      %reduce_max3A_1067 = arith.xori %or3A_1062, %reduce_max3A_1066 : vector<16xi32>
      %reduce_max3A_1068 = tpu.scan <max>, %reduce_max3A_1067 masked %reduce_max3A_1064 : vector<16xi32>, vector<16xi1> -> vector<16xi32>
      %reduce_max3A_1069 = arith.xori %reduce_max3A_1068, %reduce_max3A_1066 : vector<16xi32>
      %reduce_max3A_1070 = vector.extract %reduce_max3A_1069[15] : i32 from vector<16xi32>
      scf.yield %reduce_max3A_1070 : i32
    }
    %dma_start3A = arith.constant 0 : i32
    %dma_start3A_488 = arith.constant 0 : i32
    %dma_start3A_489 = arith.constant 0 : i32
    %dma_start3A_490 = arith.constant 0 : i32
    %dma_start3A_491 = tpu.memref_slice %arg7[%dma_start3A_488, %dma_start3A_489, %dma_start3A_490] : memref<4x128x32xf32, #tpu.memory_space<vmem>> -> memref<1x128x32xf32, #tpu.memory_space<vmem>>
    %dma_start3A_492 = tpu.memref_squeeze %dma_start3A_491 : memref<1x128x32xf32, #tpu.memory_space<vmem>> -> memref<128x32xf32, #tpu.memory_space<vmem>>
    %dma_start3A_493 = arith.constant 0 : i32
    %dma_start3A_494 = tpu.memref_slice %arg5[%dma_start3A, %dma_start3A_493] : memref<4x128xi32, #tpu.memory_space<vmem>> -> memref<1x128xi32, #tpu.memory_space<vmem>>
    %dma_start3A_495 = tpu.memref_squeeze %dma_start3A_494 : memref<1x128xi32, #tpu.memory_space<vmem>> -> memref<128xi32, #tpu.memory_space<vmem>>
    %dma_start3A_496 = arith.constant 0 : i32
    %dma_start3A_497 = arith.constant 0 : i32
    %dma_start3A_498 = tpu.memref_slice %arg3[%dma_start3A_496, %dma_start3A_497] : memref<1000000x32xf32, #tpu.memory_space<hbm>> -> memref<1000000x32xf32, #tpu.memory_space<hbm>>
    tpu.enqueue_indirect_dma source(%dma_start3A_498 : memref<1000000x32xf32, #tpu.memory_space<hbm>>) target(%dma_start3A_492 : memref<128x32xf32, #tpu.memory_space<vmem>>) offsets(%dma_start3A_495 : memref<128xi32, #tpu.memory_space<vmem>>) semaphore(%arg8 : memref<!tpu.dma_semaphore, #tpu.memory_space<semaphore_mem>>)
    %dma_start3A_499 = arith.constant 1 : i32
    %dma_start3A_500 = arith.constant 1 : i32
    %dma_start3A_501 = arith.constant 0 : i32
    %dma_start3A_502 = arith.constant 0 : i32
    %dma_start3A_503 = tpu.memref_slice %arg7[%dma_start3A_500, %dma_start3A_501, %dma_start3A_502] : memref<4x128x32xf32, #tpu.memory_space<vmem>> -> memref<1x128x32xf32, #tpu.memory_space<vmem>>
    %dma_start3A_504 = tpu.memref_squeeze %dma_start3A_503 : memref<1x128x32xf32, #tpu.memory_space<vmem>> -> memref<128x32xf32, #tpu.memory_space<vmem>>
    %dma_start3A_505 = arith.constant 0 : i32
    %dma_start3A_506 = tpu.memref_slice %arg5[%dma_start3A_499, %dma_start3A_505] : memref<4x128xi32, #tpu.memory_space<vmem>> -> memref<1x128xi32, #tpu.memory_space<vmem>>
    %dma_start3A_507 = tpu.memref_squeeze %dma_start3A_506 : memref<1x128xi32, #tpu.memory_space<vmem>> -> memref<128xi32, #tpu.memory_space<vmem>>
    %dma_start3A_508 = arith.constant 0 : i32
    %dma_start3A_509 = arith.constant 0 : i32
    %dma_start3A_510 = tpu.memref_slice %arg3[%dma_start3A_508, %dma_start3A_509] : memref<1000000x32xf32, #tpu.memory_space<hbm>> -> memref<1000000x32xf32, #tpu.memory_space<hbm>>
    tpu.enqueue_indirect_dma source(%dma_start3A_510 : memref<1000000x32xf32, #tpu.memory_space<hbm>>) target(%dma_start3A_504 : memref<128x32xf32, #tpu.memory_space<vmem>>) offsets(%dma_start3A_507 : memref<128xi32, #tpu.memory_space<vmem>>) semaphore(%arg8 : memref<!tpu.dma_semaphore, #tpu.memory_space<semaphore_mem>>)
    %dma_start3A_511 = arith.constant 2 : i32
    %dma_start3A_512 = arith.constant 2 : i32
    %dma_start3A_513 = arith.constant 0 : i32
    %dma_start3A_514 = arith.constant 0 : i32
    %dma_start3A_515 = tpu.memref_slice %arg7[%dma_start3A_512, %dma_start3A_513, %dma_start3A_514] : memref<4x128x32xf32, #tpu.memory_space<vmem>> -> memref<1x128x32xf32, #tpu.memory_space<vmem>>
    %dma_start3A_516 = tpu.memref_squeeze %dma_start3A_515 : memref<1x128x32xf32, #tpu.memory_space<vmem>> -> memref<128x32xf32, #tpu.memory_space<vmem>>
    %dma_start3A_517 = arith.constant 0 : i32
    %dma_start3A_518 = tpu.memref_slice %arg5[%dma_start3A_511, %dma_start3A_517] : memref<4x128xi32, #tpu.memory_space<vmem>> -> memref<1x128xi32, #tpu.memory_space<vmem>>
    %dma_start3A_519 = tpu.memref_squeeze %dma_start3A_518 : memref<1x128xi32, #tpu.memory_space<vmem>> -> memref<128xi32, #tpu.memory_space<vmem>>
    %dma_start3A_520 = arith.constant 0 : i32
    %dma_start3A_521 = arith.constant 0 : i32
    %dma_start3A_522 = tpu.memref_slice %arg3[%dma_start3A_520, %dma_start3A_521] : memref<1000000x32xf32, #tpu.memory_space<hbm>> -> memref<1000000x32xf32, #tpu.memory_space<hbm>>
    tpu.enqueue_indirect_dma source(%dma_start3A_522 : memref<1000000x32xf32, #tpu.memory_space<hbm>>) target(%dma_start3A_516 : memref<128x32xf32, #tpu.memory_space<vmem>>) offsets(%dma_start3A_519 : memref<128xi32, #tpu.memory_space<vmem>>) semaphore(%arg8 : memref<!tpu.dma_semaphore, #tpu.memory_space<semaphore_mem>>)
    %dma_start3A_523 = arith.constant 3 : i32
    %dma_start3A_524 = arith.constant 3 : i32
    %dma_start3A_525 = arith.constant 0 : i32
    %dma_start3A_526 = arith.constant 0 : i32
    %dma_start3A_527 = tpu.memref_slice %arg7[%dma_start3A_524, %dma_start3A_525, %dma_start3A_526] : memref<4x128x32xf32, #tpu.memory_space<vmem>> -> memref<1x128x32xf32, #tpu.memory_space<vmem>>
    %dma_start3A_528 = tpu.memref_squeeze %dma_start3A_527 : memref<1x128x32xf32, #tpu.memory_space<vmem>> -> memref<128x32xf32, #tpu.memory_space<vmem>>
    %dma_start3A_529 = arith.constant 0 : i32
    %dma_start3A_530 = tpu.memref_slice %arg5[%dma_start3A_523, %dma_start3A_529] : memref<4x128xi32, #tpu.memory_space<vmem>> -> memref<1x128xi32, #tpu.memory_space<vmem>>
    %dma_start3A_531 = tpu.memref_squeeze %dma_start3A_530 : memref<1x128xi32, #tpu.memory_space<vmem>> -> memref<128xi32, #tpu.memory_space<vmem>>
    %dma_start3A_532 = arith.constant 0 : i32
    %dma_start3A_533 = arith.constant 0 : i32
    %dma_start3A_534 = tpu.memref_slice %arg3[%dma_start3A_532, %dma_start3A_533] : memref<1000000x32xf32, #tpu.memory_space<hbm>> -> memref<1000000x32xf32, #tpu.memory_space<hbm>>
    tpu.enqueue_indirect_dma source(%dma_start3A_534 : memref<1000000x32xf32, #tpu.memory_space<hbm>>) target(%dma_start3A_528 : memref<128x32xf32, #tpu.memory_space<vmem>>) offsets(%dma_start3A_531 : memref<128xi32, #tpu.memory_space<vmem>>) semaphore(%arg8 : memref<!tpu.dma_semaphore, #tpu.memory_space<semaphore_mem>>)
    %dma_wait3A = arith.constant 0 : i32
    %dma_wait3A_535 = arith.constant 0 : i32
    %dma_wait3A_536 = arith.constant 0 : i32
    %dma_wait3A_537 = arith.constant 0 : i32
    %dma_wait3A_538 = tpu.memref_slice %arg7[%dma_wait3A_535, %dma_wait3A_536, %dma_wait3A_537] : memref<4x128x32xf32, #tpu.memory_space<vmem>> -> memref<1x128x32xf32, #tpu.memory_space<vmem>>
    %dma_wait3A_539 = tpu.memref_squeeze %dma_wait3A_538 : memref<1x128x32xf32, #tpu.memory_space<vmem>> -> memref<128x32xf32, #tpu.memory_space<vmem>>
    %dma_wait3A_540 = arith.constant 0 : i32
    %dma_wait3A_541 = tpu.memref_slice %arg5[%dma_wait3A, %dma_wait3A_540] : memref<4x128xi32, #tpu.memory_space<vmem>> -> memref<1x128xi32, #tpu.memory_space<vmem>>
    %dma_wait3A_542 = tpu.memref_squeeze %dma_wait3A_541 : memref<1x128xi32, #tpu.memory_space<vmem>> -> memref<128xi32, #tpu.memory_space<vmem>>
    %dma_wait3A_543 = arith.constant 0 : i32
    %dma_wait3A_544 = arith.constant 0 : i32
    %dma_wait3A_545 = tpu.memref_slice %arg3[%dma_wait3A_543, %dma_wait3A_544] : memref<1000000x32xf32, #tpu.memory_space<hbm>> -> memref<1000000x32xf32, #tpu.memory_space<hbm>>
    tpu.wait_indirect_dma semaphore(%arg8 : memref<!tpu.dma_semaphore, #tpu.memory_space<semaphore_mem>>) src(%dma_wait3A_545 : memref<1000000x32xf32, #tpu.memory_space<hbm>>) dst(%dma_wait3A_539 : memref<128x32xf32, #tpu.memory_space<vmem>>)
    %dma_wait3A_546 = arith.constant 1 : i32
    %dma_wait3A_547 = arith.constant 1 : i32
    %dma_wait3A_548 = arith.constant 0 : i32
    %dma_wait3A_549 = arith.constant 0 : i32
    %dma_wait3A_550 = tpu.memref_slice %arg7[%dma_wait3A_547, %dma_wait3A_548, %dma_wait3A_549] : memref<4x128x32xf32, #tpu.memory_space<vmem>> -> memref<1x128x32xf32, #tpu.memory_space<vmem>>
    %dma_wait3A_551 = tpu.memref_squeeze %dma_wait3A_550 : memref<1x128x32xf32, #tpu.memory_space<vmem>> -> memref<128x32xf32, #tpu.memory_space<vmem>>
    %dma_wait3A_552 = arith.constant 0 : i32
    %dma_wait3A_553 = tpu.memref_slice %arg5[%dma_wait3A_546, %dma_wait3A_552] : memref<4x128xi32, #tpu.memory_space<vmem>> -> memref<1x128xi32, #tpu.memory_space<vmem>>
    %dma_wait3A_554 = tpu.memref_squeeze %dma_wait3A_553 : memref<1x128xi32, #tpu.memory_space<vmem>> -> memref<128xi32, #tpu.memory_space<vmem>>
    %dma_wait3A_555 = arith.constant 0 : i32
    %dma_wait3A_556 = arith.constant 0 : i32
    %dma_wait3A_557 = tpu.memref_slice %arg3[%dma_wait3A_555, %dma_wait3A_556] : memref<1000000x32xf32, #tpu.memory_space<hbm>> -> memref<1000000x32xf32, #tpu.memory_space<hbm>>
    tpu.wait_indirect_dma semaphore(%arg8 : memref<!tpu.dma_semaphore, #tpu.memory_space<semaphore_mem>>) src(%dma_wait3A_557 : memref<1000000x32xf32, #tpu.memory_space<hbm>>) dst(%dma_wait3A_551 : memref<128x32xf32, #tpu.memory_space<vmem>>)
    %dma_wait3A_558 = arith.constant 2 : i32
    %dma_wait3A_559 = arith.constant 2 : i32
    %dma_wait3A_560 = arith.constant 0 : i32
    %dma_wait3A_561 = arith.constant 0 : i32
    %dma_wait3A_562 = tpu.memref_slice %arg7[%dma_wait3A_559, %dma_wait3A_560, %dma_wait3A_561] : memref<4x128x32xf32, #tpu.memory_space<vmem>> -> memref<1x128x32xf32, #tpu.memory_space<vmem>>
    %dma_wait3A_563 = tpu.memref_squeeze %dma_wait3A_562 : memref<1x128x32xf32, #tpu.memory_space<vmem>> -> memref<128x32xf32, #tpu.memory_space<vmem>>
    %dma_wait3A_564 = arith.constant 0 : i32
    %dma_wait3A_565 = tpu.memref_slice %arg5[%dma_wait3A_558, %dma_wait3A_564] : memref<4x128xi32, #tpu.memory_space<vmem>> -> memref<1x128xi32, #tpu.memory_space<vmem>>
    %dma_wait3A_566 = tpu.memref_squeeze %dma_wait3A_565 : memref<1x128xi32, #tpu.memory_space<vmem>> -> memref<128xi32, #tpu.memory_space<vmem>>
    %dma_wait3A_567 = arith.constant 0 : i32
    %dma_wait3A_568 = arith.constant 0 : i32
    %dma_wait3A_569 = tpu.memref_slice %arg3[%dma_wait3A_567, %dma_wait3A_568] : memref<1000000x32xf32, #tpu.memory_space<hbm>> -> memref<1000000x32xf32, #tpu.memory_space<hbm>>
    tpu.wait_indirect_dma semaphore(%arg8 : memref<!tpu.dma_semaphore, #tpu.memory_space<semaphore_mem>>) src(%dma_wait3A_569 : memref<1000000x32xf32, #tpu.memory_space<hbm>>) dst(%dma_wait3A_563 : memref<128x32xf32, #tpu.memory_space<vmem>>)
    %dma_wait3A_570 = arith.constant 3 : i32
    %dma_wait3A_571 = arith.constant 3 : i32
    %dma_wait3A_572 = arith.constant 0 : i32
    %dma_wait3A_573 = arith.constant 0 : i32
    %dma_wait3A_574 = tpu.memref_slice %arg7[%dma_wait3A_571, %dma_wait3A_572, %dma_wait3A_573] : memref<4x128x32xf32, #tpu.memory_space<vmem>> -> memref<1x128x32xf32, #tpu.memory_space<vmem>>
    %dma_wait3A_575 = tpu.memref_squeeze %dma_wait3A_574 : memref<1x128x32xf32, #tpu.memory_space<vmem>> -> memref<128x32xf32, #tpu.memory_space<vmem>>
    %dma_wait3A_576 = arith.constant 0 : i32
    %dma_wait3A_577 = tpu.memref_slice %arg5[%dma_wait3A_570, %dma_wait3A_576] : memref<4x128xi32, #tpu.memory_space<vmem>> -> memref<1x128xi32, #tpu.memory_space<vmem>>
    %dma_wait3A_578 = tpu.memref_squeeze %dma_wait3A_577 : memref<1x128xi32, #tpu.memory_space<vmem>> -> memref<128xi32, #tpu.memory_space<vmem>>
    %dma_wait3A_579 = arith.constant 0 : i32
    %dma_wait3A_580 = arith.constant 0 : i32
    %dma_wait3A_581 = tpu.memref_slice %arg3[%dma_wait3A_579, %dma_wait3A_580] : memref<1000000x32xf32, #tpu.memory_space<hbm>> -> memref<1000000x32xf32, #tpu.memory_space<hbm>>
    tpu.wait_indirect_dma semaphore(%arg8 : memref<!tpu.dma_semaphore, #tpu.memory_space<semaphore_mem>>) src(%dma_wait3A_581 : memref<1000000x32xf32, #tpu.memory_space<hbm>>) dst(%dma_wait3A_575 : memref<128x32xf32, #tpu.memory_space<vmem>>)
    "tpu.region"() ({
      %run_scoped3A = tpu.sem_alloc : memref<!tpu.dma_semaphore, #tpu.memory_space<semaphore_mem>>
      %dma_start3A_582 = arith.constant 0 : i32
      %dma_start3A_583 = arith.constant 0 : i32
      %dma_start3A_584 = arith.constant 0 : i32
      %dma_start3A_585 = tpu.memref_slice %arg4[%add3A, %dma_start3A_582, %dma_start3A_583, %dma_start3A_584] : memref<32x4x128x32xf32, #tpu.memory_space<hbm>> -> memref<1x4x128x32xf32, #tpu.memory_space<hbm>>
      %dma_start3A_586 = tpu.memref_squeeze %dma_start3A_585 : memref<1x4x128x32xf32, #tpu.memory_space<hbm>> -> memref<4x128x32xf32, #tpu.memory_space<hbm>>
      %dma_start3A_587 = arith.constant 0 : i32
      %dma_start3A_588 = arith.constant 0 : i32
      %dma_start3A_589 = arith.constant 0 : i32
      %dma_start3A_590 = tpu.memref_slice %arg4[%add3A, %dma_start3A_587, %dma_start3A_588, %dma_start3A_589] : memref<32x4x128x32xf32, #tpu.memory_space<hbm>> -> memref<1x4x128x32xf32, #tpu.memory_space<hbm>>
      %dma_start3A_591 = tpu.memref_squeeze %dma_start3A_590 : memref<1x4x128x32xf32, #tpu.memory_space<hbm>> -> memref<4x128x32xf32, #tpu.memory_space<hbm>>
      tpu.enqueue_dma source(%arg7 : memref<4x128x32xf32, #tpu.memory_space<vmem>>) target(%dma_start3A_591 : memref<4x128x32xf32, #tpu.memory_space<hbm>>) target_semaphore(%run_scoped3A : memref<!tpu.dma_semaphore, #tpu.memory_space<semaphore_mem>>)
      %dma_wait3A_592 = arith.constant 0 : i32
      %dma_wait3A_593 = arith.constant 0 : i32
      %dma_wait3A_594 = arith.constant 0 : i32
      %dma_wait3A_595 = tpu.memref_slice %arg4[%add3A, %dma_wait3A_592, %dma_wait3A_593, %dma_wait3A_594] : memref<32x4x128x32xf32, #tpu.memory_space<hbm>> -> memref<1x4x128x32xf32, #tpu.memory_space<hbm>>
      %dma_wait3A_596 = tpu.memref_squeeze %dma_wait3A_595 : memref<1x4x128x32xf32, #tpu.memory_space<hbm>> -> memref<4x128x32xf32, #tpu.memory_space<hbm>>
      %dma_wait3A_597 = arith.constant 0 : i32
      %dma_wait3A_598 = arith.constant 0 : i32
      %dma_wait3A_599 = arith.constant 0 : i32
      %dma_wait3A_600 = tpu.memref_slice %arg4[%add3A, %dma_wait3A_597, %dma_wait3A_598, %dma_wait3A_599] : memref<32x4x128x32xf32, #tpu.memory_space<hbm>> -> memref<1x4x128x32xf32, #tpu.memory_space<hbm>>
      %dma_wait3A_601 = tpu.memref_squeeze %dma_wait3A_600 : memref<1x4x128x32xf32, #tpu.memory_space<hbm>> -> memref<4x128x32xf32, #tpu.memory_space<hbm>>
      tpu.wait_dma2 semaphore(%run_scoped3A : memref<!tpu.dma_semaphore, #tpu.memory_space<semaphore_mem>>) src(%arg7 : memref<4x128x32xf32, #tpu.memory_space<vmem>>) dst(%dma_wait3A_601 : memref<4x128x32xf32, #tpu.memory_space<hbm>>)
      tpu.yield
    }) : () -> ()
    return
  }
}

</mosaic_0001>

<sc_bundles>
// kernel: kernel.3.cloned.1.call-start
scs
__scs_entry_jumppad:
0x0: {  	(pc) =	sbr.rel $0x88, $3  }
0x1: {  	(tag) =	ssettag $0x0;
	lr =	simm.s32 $0x1  }
0x2: {  	[smem:$0x3F9F] =	sst lr;
	_ =	strace $0xD0000000  }
0x3: {  	_ = 	snop  }
0x4: {  	_ = 	snop  }
0x5: {  	_ = 	snop  }
0x6: {  	_ = 	snop  }
0x7: {  	_ = 	snop  }
__scs_overlays_trampoline_lowered:
0x8: {  	[smem:$0x3FAE] =	sst s0  }
0x9: {  	[smem:$0x3FAF] =	sst s1  }
0xa: {  	[smem:$0x3FB0] =	sst s2  }
0xb: {  	[smem:$0x3FB1] =	sst s3  }
0xc: {  	[smem:$0x3FB2] =	sst s4  }
0xd: {  	[smem:$0x3FB3] =	sst s5  }
0xe: {  	[smem:$0x3FB4] =	sst s6  }
0xf: {  	[smem:$0x3FB5] =	sst s7  }
0x10: {  	[smem:$0x3FB6] =	sst s8  }
0x11: {  	[smem:$0x3FB7] =	sst s9;
	s0 =	simm.s32 @!p0 $0x0  }
0x12: {  	s1 =	sld [smem:$0x3F9D];
	s0 =	simm.s32 @p0 $0x1  }
0x13: {  	[smem:$0x3FB8] =	sst s0;
	s0 =	simm.s32 @!p1 $0x0  }
0x14: {  	s2 =	sld [smem:$0x3F9C];
	s0 =	simm.s32 @p1 $0x1  }
0x15: {  	[smem:$0x3FB9] =	sst s0;
	s0 =	simm.s32 @!p2 $0x0  }
0x16: {  	s3 =	sld [smem:$0x3FDB];
	s0 =	simm.s32 @p2 $0x1  }
0x17: {  	s4 =	simm.s32 $0x1BF5;
	[smem:$0x3FBB] =	sst s0  }
0x18: {  	s0 =	sld [smem:$0x3F9E];
	_ =	swait.ge [sflag:s4], $0x0  }
0x19: {  	s7 =	sld [smem:$0x3F9F]  }
0x1a: {  	s8 =	sadd.s32 $0xFFFFE003, lr  }
0x1b: {  	s9 =	sadd.s32 $0xFFFFFEF7, lr;
	s5 =	simm.s32 $0xFFFFFFFF;
	p2 =	slt.u32 s8, $0xFFFFF086  }
0x1c: {  	p1 =	slt.u32 s9, $0xF7A;
	s5 =	simm.s32 @!p2 $0x0  }
0x1d: {  	s5 =	simm.s32 @p1 $0x1;
	p0 =	seq.s32 s7, s2  }
0x1e: {  	s7 =	smul.u32 @!p0 $0xF7A, s2;
	p2 =	seq.s32 @!p0 s5, $0x0  }
0x1f: {  	s9 =	smul.u32 $0xF7A, s1;
	s8 =	simm.s32 @!p0 $0x1BF5;
	p2 =	por !p2, p0  }
0x20: {  	[sflag:s8] =	ssyncset.s32 @!p0 $0xFFFFF086;
	s6 =	sadd.s32 @!p0 s3, s7;
	s7 =	simm.s32 @!p0 $0x108  }
0x21: {  	s3 =	sadd.s32 s3, s9;
	s6 =	sadd.s32 @!p0 $0x88, s6;
	s7 =	simm.s32 @p2 $0x1082  }
0x22: {  	[simem:s7], [sflag:s8] =	dma.local @!p0 [hbm:s6], $0xF7A  }
0x23: {  	s9 =	sor.u32 $0xD0000000, s2;
	s6 =	simm.s32 $0x108;
	_ =	swait.ge @!p0 [sflag:s8], $0x0  }
0x24: {  	s3 =	sadd.s32 $0x88, s3;
	s6 =	simm.s32 @!p1 $0x1082;
	[sflag:s4] =	ssyncset.s32 $0xFFFFF086  }
0x25: {  	[simem:s6], [sflag:s4] =	dma.local [hbm:s3], $0xF7A  }
0x26: {  	[smem:$0x3F9F] =	sst s1;
	(tag) =	ssettag s2;
	_ =	strace s9  }
0x27: {  	s1 =	sld [smem:$0x3FAF]  }
0x28: {  	s2 =	sld [smem:$0x3FB0]  }
0x29: {  	s4 =	sld [smem:$0x3FB2]  }
0x2a: {  	p0 =	seq.s32 s5, $0x0;
	s5 =	sld [smem:$0x3FB3]  }
0x2b: {  	s6 =	sld [smem:$0x3FB4]  }
0x2c: {  	s7 =	sld [smem:$0x3FB5]  }
0x2d: {  	s3 =	simm.s32 $0x108;
	s8 =	sld [smem:$0x3FB6]  }
0x2e: {  	s3 =	simm.s32 @!p0 $0x1082;
	s9 =	sld [smem:$0x3FB7]  }
0x2f: {  	lr =	sadd.s32 s0, s3;
	s0 =	sld [smem:$0x3FAE]  }
0x30: {  	s3 =	sld [smem:$0x3FB1]  }
0x31: {  	[smem:$0x3FBA] =	sst s10  }
0x32: {  	s10 =	sld [smem:$0x3FB8];
	_ =	sdelay $0x3  }
0x33: {  	p0 =	seq.s32 s10, $0x1;
	s10 =	sld [smem:$0x3FBA];
	_ =	sdelay $0x3  }
0x34: {  	[smem:$0x3FBA] =	sst s10  }
0x35: {  	s10 =	sld [smem:$0x3FB9];
	_ =	sdelay $0x3  }
0x36: {  	p1 =	seq.s32 s10, $0x1;
	s10 =	sld [smem:$0x3FBA];
	_ =	sdelay $0x3  }
0x37: {  	[smem:$0x3FBA] =	sst s10  }
0x38: {  	s10 =	sld [smem:$0x3FBB]  }
0x39: {  	_ = 	snop;
	(pc) =	sbr.ind lr, $3  }
0x3a: {  	_ = 	snop  }
0x3b: {  	_ = 	snop  }
0x3c: {  	p2 =	seq.s32 s10, $0x1;
	s10 =	sld [smem:$0x3FBA]  }
0x3d: {  	_ =	shalt  }
0x3e: {  	_ =	shalt  }
0x3f: {  	_ =	shalt  }
0x40: {  	_ =	shalt  }
0x41: {  	_ =	shalt  }
0x42: {  	_ =	shalt  }
0x43: {  	_ =	shalt  }
0x44: {  	_ =	shalt  }
0x45: {  	_ =	shalt  }
0x46: {  	_ =	shalt  }
0x47: {  	_ =	shalt  }
0x48: {  	_ =	shalt  }
0x49: {  	_ =	shalt  }
0x4a: {  	_ =	shalt  }
0x4b: {  	_ =	shalt  }
0x4c: {  	_ =	shalt  }
0x4d: {  	_ =	shalt  }
0x4e: {  	_ =	shalt  }
0x4f: {  	_ =	shalt  }
0x50: {  	_ =	shalt  }
0x51: {  	_ =	shalt  }
0x52: {  	_ =	shalt  }
0x53: {  	_ =	shalt  }
0x54: {  	_ =	shalt  }
0x55: {  	_ =	shalt  }
0x56: {  	_ =	shalt  }
0x57: {  	_ =	shalt  }
0x58: {  	_ =	shalt  }
0x59: {  	_ =	shalt  }
0x5a: {  	_ =	shalt  }
0x5b: {  	_ =	shalt  }
0x5c: {  	_ =	shalt  }
0x5d: {  	_ =	shalt  }
0x5e: {  	_ =	shalt  }
0x5f: {  	_ =	shalt  }
0x60: {  	_ =	shalt  }
0x61: {  	_ =	shalt  }
0x62: {  	_ =	shalt  }
0x63: {  	_ =	shalt  }
0x64: {  	_ =	shalt  }
0x65: {  	_ =	shalt  }
0x66: {  	_ =	shalt  }
0x67: {  	_ =	shalt  }
0x68: {  	_ =	shalt  }
0x69: {  	_ =	shalt  }
0x6a: {  	_ =	shalt  }
0x6b: {  	_ =	shalt  }
0x6c: {  	_ =	shalt  }
0x6d: {  	_ =	shalt  }
0x6e: {  	_ =	shalt  }
0x6f: {  	_ =	shalt  }
0x70: {  	_ =	shalt  }
0x71: {  	_ =	shalt  }
0x72: {  	_ =	shalt  }
0x73: {  	_ =	shalt  }
0x74: {  	_ =	shalt  }
0x75: {  	_ =	shalt  }
0x76: {  	_ =	shalt  }
0x77: {  	_ =	shalt  }
0x78: {  	_ =	shalt  }
0x79: {  	_ =	shalt  }
0x7a: {  	_ =	shalt  }
0x7b: {  	_ =	shalt  }
0x7c: {  	_ =	shalt  }
0x7d: {  	_ =	shalt  }
0x7e: {  	_ =	shalt  }
0x7f: {  	_ =	shalt  }
0x80: {  	_ =	shalt  }
0x81: {  	_ =	shalt  }
0x82: {  	_ =	shalt  }
0x83: {  	_ =	shalt  }
0x84: {  	_ =	shalt  }
0x85: {  	_ =	shalt  }
0x86: {  	_ =	shalt  }
0x87: {  	_ =	shalt  }
.Lfunc_end0:
.L_simem_size_0:
called_computation_lowered:
.L_overlay_start_0:
0x88: {  	s2 =	sld [smem:$0x3FD9]  }
0x89: {  	s3 =	sld [smem:$0x3FFE];
	_ =	sdelay $0x1  }
0x8a: {  	s1 =	srdreg.scid  }
0x8b: {  	s0 =	sand.u32 $0x1, s1  }
0x8c: {  	s17 =	sshll.u32 s0, $0xA;
	s2 =	sadd.s32 s3, s2  }
0x8d: {  	s2 =	sadd.s32 s2, s17  }
0x8e: {  	[smem:$0x3FC6] =	sst s2  }
0x8f: {  	_ = 	snop  }
0x90: {  	s2 =	sld [smem:$0x3FC9]  }
0x91: {  	s18 =	sld [smem:$0x3FD0];
	(tm) =	ssettm $0x1  }
0x92: {  	s4 =	sld [smem:$0x3FFB];
	_ =	sdelay $0x3  }
0x93: {  	_ =	strace s4  }
0x94: {  	s4 =	sld [smem:$0x3FFC];
	_ =	sdelay $0x3  }
0x95: {  	_ =	strace s4  }
0x96: {  	s4 =	sld [smem:$0x3FFD];
	_ =	sdelay $0x3  }
0x97: {  	_ =	strace s4  }
0x98: {  	_ =	strace $0x8FFFFFFF  }
0x99: {  	s19 =	sld [smem:$0x3FDB];
	_ =	sdelay $0x1  }
0x9a: {  	s5 =	simm.s32 $_scs_section_size  }
0x9b: {  	s6 =	simm.s32 $_size__tile_overlayer_lowered;
	s7 =	simm.s32 $_tile_overlayer_lowered  }
0x9c: {  	s22 =	simm.s32 $0x1BFF;
	s21 =	sshll.u32 s7, $0x1;
	s4 =	sadd.s32 s5, s19  }
0x9d: {  	s8 =	simm.s32 $0x0;
	s20 =	sshll.u32 s6, $0x1;
	s6 =	sadd.s32 s21, s4  }
0x9e: {  	[timem:s8], [sflag:s22] =	dma.local [hbm:s6], s20  }
0x9f: {  	_ =	swait.ge [sflag:s22], s20  }
0xa0: {  	s5 =	ssub.s32 $0x0, s20;
	[sflag:s22] =	ssyncset.done $0x0  }
0xa1: {  	[sflag:s22] =	ssyncadd.s32 s5;
	_ =	sdelay $0x1  }
0xa2: {  	s23 =	simm.s32 $0x1B8B  }
0xa3: {  	_ =	swait.ge [sflag:s23], $0x1  }
0xa4: {  	[sflag:s23] =	ssyncset.done $0x0  }
0xa5: {  	s25 =	simm.s32 $0x1B8E;
	s24 =	sld [smem:$0x3FFE];
	[sflag:s23] =	ssyncadd.s32 $0xFFFFFFFF  }
0xa6: {  	s26 =	simm.s32 $execute0_lowered;
	[smem:$0x3FD2] =	sst s25  }
0xa7: {  	s6 =	sshll.u32 s26, $0x1;
	_ =	strace $0x80000046;
	[dreg:$0x1] =	wrdreg $0xFFFFFFFF  }
0xa8: {  	s28 =	simm.s32 $_size_execute0_lowered;
	s4 =	sadd.s32 s4, s6;
	[dreg:$0x0] =	wrdreg $0x0  }
0xa9: {  	s6 =	sshll.u32 s28, $0x1;
	[dreg:$0x2] =	wrdreg s4  }
0xaa: {  	[dreg:$0x3] =	wrdreg s6  }
0xab: {  	[dreg:$0x4] =	wrdreg $0xC0  }
0xac: {  	_ =	task [dreg:s8], $0x5FFFF  }
0xad: {  	[dreg:$0x1] =	wrdreg $0xFFFFFFFF  }
0xae: {  	[dreg:$0x0] =	wrdreg $0x60  }
0xaf: {  	[dreg:$0x2] =	wrdreg s2  }
0xb0: {  	[dreg:$0x3] =	wrdreg s24  }
0xb1: {  	[dreg:$0x4] =	wrdreg s18  }
0xb2: {  	[dreg:$0x5] =	wrdreg $0x9  }
0xb3: {  	_ =	task.clear_ibuf [dreg:s8], $0x6FFFF;
	_ =	strace $0x90000046  }
0xb4: {  	s29 =	simm.s32 $0x9;
	_ =	strace $0x80000048  }
0xb5: {  	_ =	swait.ge [sflag:s29], $0x1  }
0xb6: {  	[sflag:s29] =	ssyncadd.s32 $0xFFFFFFFF  }
0xb7: {  	_ =	strace $0x90000048  }
0xb8: {  	_ =	sfence  }
0xb9: {  	s30 =	sld [smem:$0x0];
	_ =	sdelay $0x2  }
0xba: {  	s31 =	sshll.u32 s1, $0xD;
	s1 =	sshrl.u32 s1, $0x2  }
0xbb: {  	s3 =	sand.u32 $0x4000, s31;
	s1 =	sadd.s32 s1, s30  }
0xbc: {  	s0 =	sor.u32 s3, s0;
	s1 =	sshll.u32 s1, $0x11  }
0xbd: {  	s0 =	sor.u32 s1, s0  }
0xbe: {  	s0 =	sadd.s32 $0x8F2B, s0  }
0xbf: {  	[sflag:s0] =	ssyncadd.remote.s32 $0x1  }
0xc0: {  	_ =	sfence.sel $0xFFFF  }
0xc1: {  	[dreg:$0x0] =	wrdreg $0xFFFFFFFF;
	(pc) =	sbr.abs _section_cstart, $3  }
0xc2: {  	[dreg:$0x1] =	wrdreg $0xFFFFFFFF  }
0xc3: {  	_ =	task.clear_ibuf [dreg:s8], $0x2FFFF;
	_ =	strace $0x9FFFFFFF  }
0xc4: {  	(tm) =	ssettm $0x7FFFFFFF  }
0xc5: {  	_ =	shalt  }
tec
execute0_lowered:
.L_overlay_start_1:
0x0: {  	(tag) =	ssettag $0x1  }
0x1: {  	s4 =	rddreg [dreg:$0x0]  }
0x2: {  	s3 =	rddreg [dreg:$0x1]  }
0x3: {  	s5 =	rddreg [dreg:$0x2]  }
0x4: {  	s0 =	rddreg [dreg:$0x3];
	s2 =	simm.s32 $0x0;
	s6 =	srdreg.scid  }
0x5: {  	s1 =	stileid.u32;
	s10 =	simm.s32 $0x400;
	s11 =	simm.s32 $0x1400  }
0x6: {  	s12 =	simm.s32 $0x100;
	s13 =	simm.s32 $0x2400;
	s14 =	simm.s32 $0x180  }
0x7: {  	s15 =	simm.s32 $0x3400;
	s16 =	simm.s32 $0x1;
	s17 =	simm.s32 $0x0  }
0x8: {  	[smem:$0x7FF] =	sst s2;
	s6 =	sand.u32 $0x1, s6;
	s7 =	sshll.u32 s1, $0x1  }
.Ltmp0:
0x9: {  	s3 =	sadd.s32 $0xF42800, s3;
	s8 =	ssub.s32 $0x2, s6;
	(pc) =	sbr.rel .LBB2_1-.Ltmp0, $4  }
0xa: {  	_ =	strace $0x80000047;
	s6 =	sor.u32 s6, s7;
	s31 =	sshrl.u32 s8, $0x1  }
0xb: {  	s9 =	sshll.u32 s6, $0x6;
	s6 =	sshll.u32 s6, $0xB;
	s7 =	ssub.s32 s8, s31  }
0xc: {  	s4 =	sadd.s32 s4, s9;
	s5 =	sadd.s32 s5, s6;
	s8 =	simm.s32 $0x200  }
0xd: {  	v0 =	vimm.s32 $0xFFFFFFFF;
	v1 =	vimm.s32 $0x0;
	s9 =	simm.s32 $0x80;
	s6 =	smax.u32 s7, $0x1;
	s7 =	simm.s32 $0x2  }
.LBB2_3:
0xe: {  	[tilespmem:s10], [sflag:$0x1] =	stream.indirect.gather [hbm4b:s3+s9], $0x20, s2, s9, $0xb8;
	[tilespmem:$0x4400] =	vst v63  }
0xf: {  	_ = 	snop  }
0x10: {  	[tilespmem:s11], [sflag:$0x1] =	stream.indirect.gather [hbm4b:s3+s9], $0x20, s9, s9, $0xb8;
	[tilespmem:$0x4400] =	vst v63  }
0x11: {  	_ = 	snop  }
0x12: {  	[tilespmem:s13], [sflag:$0x1] =	stream.indirect.gather [hbm4b:s3+s9], $0x20, s12, s9, $0xb8;
	[tilespmem:$0x4400] =	vst v63  }
0x13: {  	_ = 	snop  }
0x14: {  	[tilespmem:s15], [sflag:$0x1] =	stream.indirect.gather [hbm4b:s3+s9], $0x20, s14, s9, $0xb8;
	[tilespmem:$0x4400] =	vst v63  }
0x15: {  	_ =	swait.ge [sflag:s16], $0x1000  }
0x16: {  	[sflag:s16] =	ssyncset.done $0x0  }
0x17: {  	[sflag:s16] =	ssyncadd.s32 $0xFFFFF000  }
0x18: {  	_ =	swait.ge [sflag:s16], $0x1000  }
0x19: {  	[sflag:s16] =	ssyncset.done $0x0  }
0x1a: {  	[sflag:s16] =	ssyncadd.s32 $0xFFFFF000  }
0x1b: {  	_ =	swait.ge [sflag:s16], $0x1000  }
0x1c: {  	[sflag:s16] =	ssyncset.done $0x0  }
0x1d: {  	[sflag:s16] =	ssyncadd.s32 $0xFFFFF000  }
0x1e: {  	s17 =	sadd.s32 $0x1, s17;
	_ =	swait.ge [sflag:s16], $0x1000  }
0x1f: {  	p0 =	sne.s32 s17, s6;
	[sflag:s16] =	ssyncset.done $0x0  }
.Ltmp1:
0x20: {  	[sflag:s16] =	ssyncadd.s32 $0xFFFFF000;
	(pc) =	sbr.rel @!p0 .LBB2_4-.Ltmp1, $4  }
0x21: {  	[hbm4b:s5+s2] =	stream.linear.scatter [tilespmem:s10], [sflag:$0x2], $0x4000, $0x38;
	[tilespmem:$0x4400] =	vst v63  }
0x22: {  	_ =	swait.ge [sflag:s7], $0x4000  }
0x23: {  	[sflag:s7] =	ssyncset.done $0x0  }
0x24: {  	[sflag:s7] =	ssyncadd.s32 $0xFFFFC000  }
.LBB2_1:
0x25: {  	[tilespmem:s2], [sflag:$0x2] =	stream.linear.gather [hbm4b:s4+s2], $0x200, $0x38;
	[tilespmem:$0x4400] =	vst v63  }
0x26: {  	_ =	swait.ge [sflag:s7], $0x200  }
0x27: {  	[sflag:s7] =	ssyncset.done $0x0  }
0x28: {  	[sflag:s7] =	ssyncadd.s32 $0xFFFFFE00  }
0x29: {  	[tilespmem:$0x200] =	vst v0  }
0x2a: {  	[tilespmem:$0x210] =	vst v0  }
0x2b: {  	[tilespmem:$0x220] =	vst v0  }
0x2c: {  	[tilespmem:$0x230] =	vst v0  }
0x2d: {  	[tilespmem:$0x240] =	vst v0  }
0x2e: {  	[tilespmem:$0x250] =	vst v0  }
0x2f: {  	[tilespmem:$0x260] =	vst v0  }
0x30: {  	[tilespmem:$0x270] =	vst v0  }
0x31: {  	[tilespmem:$0x280] =	vst v0  }
0x32: {  	[tilespmem:$0x290] =	vst v0  }
0x33: {  	[tilespmem:$0x2A0] =	vst v0  }
0x34: {  	[tilespmem:$0x2B0] =	vst v0  }
0x35: {  	[tilespmem:$0x2C0] =	vst v0  }
0x36: {  	[tilespmem:$0x2D0] =	vst v0  }
0x37: {  	[tilespmem:$0x2E0] =	vst v0  }
0x38: {  	[tilespmem:$0x2F0] =	vst v0  }
0x39: {  	[tilespmem:$0x300] =	vst v0  }
0x3a: {  	[tilespmem:$0x310] =	vst v0  }
0x3b: {  	[tilespmem:$0x320] =	vst v0  }
0x3c: {  	[tilespmem:$0x330] =	vst v0  }
0x3d: {  	[tilespmem:$0x340] =	vst v0  }
0x3e: {  	[tilespmem:$0x350] =	vst v0  }
0x3f: {  	[tilespmem:$0x360] =	vst v0  }
0x40: {  	[tilespmem:$0x370] =	vst v0  }
0x41: {  	[tilespmem:$0x380] =	vst v0  }
0x42: {  	[tilespmem:$0x390] =	vst v0  }
0x43: {  	[tilespmem:$0x3A0] =	vst v0  }
0x44: {  	[tilespmem:$0x3B0] =	vst v0  }
0x45: {  	[tilespmem:$0x3C0] =	vst v0  }
0x46: {  	[tilespmem:$0x3D0] =	vst v0  }
0x47: {  	[tilespmem:$0x3E0] =	vst v0  }
0x48: {  	[tilespmem:$0x3F0] =	vst v0  }
0x49: {  	[tilespmem:s8], [sflag:$0x2] =	stream.linear.gather [hbm4b:s4+s2], $0x200, $0x38;
	[tilespmem:$0x4400] =	vst v63  }
0x4a: {  	_ =	swait.ge [sflag:s7], $0x200  }
0x4b: {  	[sflag:s7] =	ssyncset.done $0x0  }
0x4c: {  	[sflag:s7] =	ssyncadd.s32 $0xFFFFFE00  }
0x4d: {  	v2 =	vld [tilespmem:$0x0]  }
0x4e: {  	v3 =	vld [tilespmem:$0x200]  }
0x4f: {  	v4 =	vld [tilespmem:$0x10]  }
0x50: {  	v5 =	vld [tilespmem:$0x210]  }
0x51: {  	v6 =	vld [tilespmem:$0x20]  }
0x52: {  	v7 =	vld [tilespmem:$0x220]  }
0x53: {  	v8 =	vld [tilespmem:$0x30]  }
0x54: {  	v9 =	vld [tilespmem:$0x230]  }
0x55: {  	v10 =	vld [tilespmem:$0x40]  }
0x56: {  	v11 =	vld [tilespmem:$0x240]  }
0x57: {  	v12 =	vld [tilespmem:$0x50]  }
0x58: {  	v13 =	vld [tilespmem:$0x250]  }
0x59: {  	v14 =	vld [tilespmem:$0x60]  }
0x5a: {  	v15 =	vld [tilespmem:$0x260]  }
0x5b: {  	v16 =	vld [tilespmem:$0x70]  }
0x5c: {  	v17 =	vld [tilespmem:$0x270]  }
0x5d: {  	v18 =	vld [tilespmem:$0x80]  }
0x5e: {  	v19 =	vld [tilespmem:$0x280]  }
0x5f: {  	v20 =	vld [tilespmem:$0x90]  }
0x60: {  	v21 =	vld [tilespmem:$0x290]  }
0x61: {  	v22 =	vld [tilespmem:$0xA0]  }
0x62: {  	v23 =	vld [tilespmem:$0x2A0]  }
0x63: {  	v24 =	vld [tilespmem:$0xB0]  }
0x64: {  	v25 =	vld [tilespmem:$0x2B0]  }
0x65: {  	v26 =	vld [tilespmem:$0xC0]  }
0x66: {  	v27 =	vld [tilespmem:$0x2C0]  }
0x67: {  	v28 =	vld [tilespmem:$0xD0]  }
0x68: {  	v29 =	vld [tilespmem:$0x2D0]  }
0x69: {  	v30 =	vld [tilespmem:$0xE0]  }
0x6a: {  	v31 =	vld [tilespmem:$0x2E0]  }
0x6b: {  	v32 =	vld [tilespmem:$0xF0]  }
0x6c: {  	v33 =	vld [tilespmem:$0x2F0]  }
0x6d: {  	v34 =	vld [tilespmem:$0x100]  }
0x6e: {  	v35 =	vld [tilespmem:$0x300]  }
0x6f: {  	v36 =	vld [tilespmem:$0x110]  }
0x70: {  	v37 =	vld [tilespmem:$0x310]  }
0x71: {  	v38 =	vld [tilespmem:$0x120]  }
0x72: {  	v39 =	vld [tilespmem:$0x320]  }
0x73: {  	v42 =	vld [tilespmem:$0x140];
	vm0 =	vne.s32 v2, v3;
	vm1 =	vne.s32 v4, v5  }
0x74: {  	v43 =	vld [tilespmem:$0x340];
	vm10 =	vne.s32 v6, v7;
	vm0 =	vmor vm0, vm1  }
0x75: {  	v44 =	vld [tilespmem:$0x150];
	vm11 =	vne.s32 v8, v9;
	vm0 =	vmor vm0, vm10  }
0x76: {  	v45 =	vld [tilespmem:$0x350];
	vm12 =	vne.s32 v10, v11;
	vm0 =	vmor vm0, vm11  }
0x77: {  	v46 =	vld [tilespmem:$0x160];
	vm13 =	vne.s32 v12, v13;
	vm0 =	vmor vm0, vm12  }
0x78: {  	v47 =	vld [tilespmem:$0x360];
	vm14 =	vne.s32 v14, v15;
	vm0 =	vmor vm0, vm13  }
0x79: {  	v48 =	vld [tilespmem:$0x170];
	vm15 =	vne.s32 v16, v17;
	vm0 =	vmor vm0, vm14  }
0x7a: {  	v49 =	vld [tilespmem:$0x370];
	vm4 =	vne.s32 v18, v19;
	vm0 =	vmor vm0, vm15  }
0x7b: {  	v50 =	vld [tilespmem:$0x180];
	vm5 =	vne.s32 v20, v21;
	vm0 =	vmor vm0, vm4  }
0x7c: {  	v51 =	vld [tilespmem:$0x380];
	vm6 =	vne.s32 v22, v23;
	vm0 =	vmor vm0, vm5  }
0x7d: {  	v52 =	vld [tilespmem:$0x190];
	vm7 =	vne.s32 v24, v25;
	vm0 =	vmor vm0, vm6  }
0x7e: {  	v53 =	vld [tilespmem:$0x390];
	vm8 =	vne.s32 v26, v27;
	vm0 =	vmor vm0, vm7  }
0x7f: {  	v2 =	vld [tilespmem:$0x130];
	vm9 =	vne.s32 v28, v29;
	vm0 =	vmor vm0, vm8  }
0x80: {  	v3 =	vld [tilespmem:$0x330];
	vm10 =	vne.s32 v30, v31;
	vm0 =	vmor vm0, vm9  }
0x81: {  	v54 =	vld [tilespmem:$0x1A0];
	vm11 =	vne.s32 v32, v33;
	vm0 =	vmor vm0, vm10  }
0x82: {  	v55 =	vld [tilespmem:$0x3A0];
	vm12 =	vne.s32 v34, v35;
	vm0 =	vmor vm0, vm11  }
0x83: {  	v56 =	vld [tilespmem:$0x1B0];
	vm13 =	vne.s32 v36, v37;
	vm0 =	vmor vm0, vm12  }
0x84: {  	v57 =	vld [tilespmem:$0x3B0];
	vm14 =	vne.s32 v38, v39;
	vm0 =	vmor vm0, vm13  }
0x85: {  	v58 =	vld [tilespmem:$0x1D0];
	vm15 =	vne.s32 v2, v3;
	vm0 =	vmor vm0, vm14  }
0x86: {  	v59 =	vld [tilespmem:$0x3D0];
	vm4 =	vne.s32 v42, v43;
	vm0 =	vmor vm0, vm15  }
0x87: {  	v60 =	vld [tilespmem:$0x1E0];
	vm5 =	vne.s32 v44, v45;
	vm0 =	vmor vm0, vm4  }
0x88: {  	v2 =	vld [tilespmem:$0x1C0];
	vm6 =	vne.s32 v46, v47;
	vm0 =	vmor vm0, vm5  }
0x89: {  	v3 =	vld [tilespmem:$0x3C0];
	vm7 =	vne.s32 v48, v49;
	vm0 =	vmor vm0, vm6  }
0x8a: {  	v61 =	vld [tilespmem:$0x3E0];
	vm8 =	vne.s32 v50, v51;
	vm0 =	vmor vm0, vm7  }
0x8b: {  	v62 =	vld [tilespmem:$0x1F0];
	vm9 =	vne.s32 v52, v53;
	vm0 =	vmor vm0, vm8  }
0x8c: {  	v63 =	vld [tilespmem:$0x3F0];
	vm10 =	vne.s32 v54, v55;
	vm0 =	vmor vm0, vm9  }
0x8d: {  	vm11 =	vne.s32 v56, v57;
	vm0 =	vmor vm0, vm10  }
0x8e: {  	vm12 =	vne.s32 v2, v3;
	vm0 =	vmor vm0, vm11  }
0x8f: {  	vm13 =	vne.s32 v58, v59;
	vm0 =	vmor vm0, vm12  }
0x90: {  	vm14 =	vne.s32 v60, v61;
	vm0 =	vmor vm0, vm13  }
0x91: {  	vm15 =	vne.s32 v62, v63;
	vm0 =	vmor vm0, vm14  }
0x92: {  	vm0 =	vmor vm0, vm15  }
0x93: {  	v2 =	vsel vm0, $0x1, v1  }
0x94: {  	v2 =	vor.u32 $0x80000000, v2  }
0x95: {  	(xrf0) =	vmax.scan.msk.u32 $0xffff, v2;
	_ =	sdelay $0x5  }
0x96: {  	v2, _, _ =	vpop (xrf0)  }
0x97: {  	(v2sf) =	vpush v2, $0xF;
	_ =	sdelay $0xe  }
0x98: {  	s18 =	spop (v2sf)  }
0x99: {  	p0 =	seq.s32 s18, $0x80000000  }
.Ltmp2:
0x9a: {  	_ = 	snop;
	(pc) =	sbr.rel @p0 .LBB2_3-.Ltmp2, $1  }
0x9b: {  	_ =	sdelay $0x3  }
.LBB2_2:
0x9c: {  	[tilespmem:s2], [sflag:$0x2] =	stream.linear.gather [hbm4b:s4+s2], $0x200, $0x38;
	[tilespmem:$0x4400] =	vst v63  }
0x9d: {  	_ =	swait.ge [sflag:s7], $0x200  }
0x9e: {  	[sflag:s7] =	ssyncset.done $0x0  }
0x9f: {  	[sflag:s7] =	ssyncadd.s32 $0xFFFFFE00  }
0xa0: {  	[tilespmem:$0x200] =	vst v0  }
0xa1: {  	[tilespmem:$0x210] =	vst v0  }
0xa2: {  	[tilespmem:$0x220] =	vst v0  }
0xa3: {  	[tilespmem:$0x230] =	vst v0  }
0xa4: {  	[tilespmem:$0x240] =	vst v0  }
0xa5: {  	[tilespmem:$0x250] =	vst v0  }
0xa6: {  	[tilespmem:$0x260] =	vst v0  }
0xa7: {  	[tilespmem:$0x270] =	vst v0  }
0xa8: {  	[tilespmem:$0x280] =	vst v0  }
0xa9: {  	[tilespmem:$0x290] =	vst v0  }
0xaa: {  	[tilespmem:$0x2A0] =	vst v0  }
0xab: {  	[tilespmem:$0x2B0] =	vst v0  }
0xac: {  	[tilespmem:$0x2C0] =	vst v0  }
0xad: {  	[tilespmem:$0x2D0] =	vst v0  }
0xae: {  	[tilespmem:$0x2E0] =	vst v0  }
0xaf: {  	[tilespmem:$0x2F0] =	vst v0  }
0xb0: {  	[tilespmem:$0x300] =	vst v0  }
0xb1: {  	[tilespmem:$0x310] =	vst v0  }
0xb2: {  	[tilespmem:$0x320] =	vst v0  }
0xb3: {  	[tilespmem:$0x330] =	vst v0  }
0xb4: {  	[tilespmem:$0x340] =	vst v0  }
0xb5: {  	[tilespmem:$0x350] =	vst v0  }
0xb6: {  	[tilespmem:$0x360] =	vst v0  }
0xb7: {  	[tilespmem:$0x370] =	vst v0  }
0xb8: {  	[tilespmem:$0x380] =	vst v0  }
0xb9: {  	[tilespmem:$0x390] =	vst v0  }
0xba: {  	[tilespmem:$0x3A0] =	vst v0  }
0xbb: {  	[tilespmem:$0x3B0] =	vst v0  }
0xbc: {  	[tilespmem:$0x3C0] =	vst v0  }
0xbd: {  	[tilespmem:$0x3D0] =	vst v0  }
0xbe: {  	[tilespmem:$0x3E0] =	vst v0  }
0xbf: {  	[tilespmem:$0x3F0] =	vst v0  }
0xc0: {  	[tilespmem:s8], [sflag:$0x2] =	stream.linear.gather [hbm4b:s4+s2], $0x200, $0x38;
	[tilespmem:$0x4400] =	vst v63  }
0xc1: {  	_ =	swait.ge [sflag:s7], $0x200  }
0xc2: {  	[sflag:s7] =	ssyncset.done $0x0  }
0xc3: {  	[sflag:s7] =	ssyncadd.s32 $0xFFFFFE00  }
0xc4: {  	v2 =	vld [tilespmem:$0x0]  }
0xc5: {  	v3 =	vld [tilespmem:$0x200]  }
0xc6: {  	v4 =	vld [tilespmem:$0x10]  }
0xc7: {  	v5 =	vld [tilespmem:$0x210]  }
0xc8: {  	v6 =	vld [tilespmem:$0x20]  }
0xc9: {  	v7 =	vld [tilespmem:$0x220]  }
0xca: {  	v8 =	vld [tilespmem:$0x30]  }
0xcb: {  	v9 =	vld [tilespmem:$0x230]  }
0xcc: {  	v10 =	vld [tilespmem:$0x40]  }
0xcd: {  	v11 =	vld [tilespmem:$0x240]  }
0xce: {  	v12 =	vld [tilespmem:$0x50]  }
0xcf: {  	v13 =	vld [tilespmem:$0x250]  }
0xd0: {  	v14 =	vld [tilespmem:$0x60]  }
0xd1: {  	v15 =	vld [tilespmem:$0x260]  }
0xd2: {  	v16 =	vld [tilespmem:$0x70]  }
0xd3: {  	v17 =	vld [tilespmem:$0x270]  }
0xd4: {  	v18 =	vld [tilespmem:$0x80]  }
0xd5: {  	v19 =	vld [tilespmem:$0x280]  }
0xd6: {  	v20 =	vld [tilespmem:$0x90]  }
0xd7: {  	v21 =	vld [tilespmem:$0x290]  }
0xd8: {  	v22 =	vld [tilespmem:$0xA0]  }
0xd9: {  	v23 =	vld [tilespmem:$0x2A0]  }
0xda: {  	v24 =	vld [tilespmem:$0xB0]  }
0xdb: {  	v25 =	vld [tilespmem:$0x2B0]  }
0xdc: {  	v26 =	vld [tilespmem:$0xC0]  }
0xdd: {  	v27 =	vld [tilespmem:$0x2C0]  }
0xde: {  	v28 =	vld [tilespmem:$0xD0]  }
0xdf: {  	v29 =	vld [tilespmem:$0x2D0]  }
0xe0: {  	v30 =	vld [tilespmem:$0xE0]  }
0xe1: {  	v31 =	vld [tilespmem:$0x2E0]  }
0xe2: {  	v32 =	vld [tilespmem:$0xF0]  }
0xe3: {  	v33 =	vld [tilespmem:$0x2F0]  }
0xe4: {  	v34 =	vld [tilespmem:$0x100]  }
0xe5: {  	v35 =	vld [tilespmem:$0x300]  }
0xe6: {  	v36 =	vld [tilespmem:$0x110]  }
0xe7: {  	v37 =	vld [tilespmem:$0x310]  }
0xe8: {  	v38 =	vld [tilespmem:$0x120]  }
0xe9: {  	v39 =	vld [tilespmem:$0x320]  }
0xea: {  	v42 =	vld [tilespmem:$0x140];
	vm0 =	vne.s32 v2, v3;
	vm1 =	vne.s32 v4, v5  }
0xeb: {  	v43 =	vld [tilespmem:$0x340];
	vm10 =	vne.s32 v6, v7;
	vm0 =	vmor vm0, vm1  }
0xec: {  	v44 =	vld [tilespmem:$0x150];
	vm11 =	vne.s32 v8, v9;
	vm0 =	vmor vm0, vm10  }
0xed: {  	v45 =	vld [tilespmem:$0x350];
	vm12 =	vne.s32 v10, v11;
	vm0 =	vmor vm0, vm11  }
0xee: {  	v46 =	vld [tilespmem:$0x160];
	vm13 =	vne.s32 v12, v13;
	vm0 =	vmor vm0, vm12  }
0xef: {  	v47 =	vld [tilespmem:$0x360];
	vm14 =	vne.s32 v14, v15;
	vm0 =	vmor vm0, vm13  }
0xf0: {  	v48 =	vld [tilespmem:$0x170];
	vm15 =	vne.s32 v16, v17;
	vm0 =	vmor vm0, vm14  }
0xf1: {  	v49 =	vld [tilespmem:$0x370];
	vm4 =	vne.s32 v18, v19;
	vm0 =	vmor vm0, vm15  }
0xf2: {  	v50 =	vld [tilespmem:$0x180];
	vm5 =	vne.s32 v20, v21;
	vm0 =	vmor vm0, vm4  }
0xf3: {  	v51 =	vld [tilespmem:$0x380];
	vm6 =	vne.s32 v22, v23;
	vm0 =	vmor vm0, vm5  }
0xf4: {  	v52 =	vld [tilespmem:$0x190];
	vm7 =	vne.s32 v24, v25;
	vm0 =	vmor vm0, vm6  }
0xf5: {  	v53 =	vld [tilespmem:$0x390];
	vm8 =	vne.s32 v26, v27;
	vm0 =	vmor vm0, vm7  }
0xf6: {  	v2 =	vld [tilespmem:$0x130];
	vm9 =	vne.s32 v28, v29;
	vm0 =	vmor vm0, vm8  }
0xf7: {  	v3 =	vld [tilespmem:$0x330];
	vm10 =	vne.s32 v30, v31;
	vm0 =	vmor vm0, vm9  }
0xf8: {  	v54 =	vld [tilespmem:$0x1A0];
	vm11 =	vne.s32 v32, v33;
	vm0 =	vmor vm0, vm10  }
0xf9: {  	v55 =	vld [tilespmem:$0x3A0];
	vm12 =	vne.s32 v34, v35;
	vm0 =	vmor vm0, vm11  }
0xfa: {  	v56 =	vld [tilespmem:$0x1B0];
	vm13 =	vne.s32 v36, v37;
	vm0 =	vmor vm0, vm12  }
0xfb: {  	v57 =	vld [tilespmem:$0x3B0];
	vm14 =	vne.s32 v38, v39;
	vm0 =	vmor vm0, vm13  }
0xfc: {  	v58 =	vld [tilespmem:$0x1D0];
	vm15 =	vne.s32 v2, v3;
	vm0 =	vmor vm0, vm14  }
0xfd: {  	v59 =	vld [tilespmem:$0x3D0];
	vm4 =	vne.s32 v42, v43;
	vm0 =	vmor vm0, vm15  }
0xfe: {  	v60 =	vld [tilespmem:$0x1E0];
	vm5 =	vne.s32 v44, v45;
	vm0 =	vmor vm0, vm4  }
0xff: {  	v2 =	vld [tilespmem:$0x1C0];
	vm6 =	vne.s32 v46, v47;
	vm0 =	vmor vm0, vm5  }
0x100: {  	v3 =	vld [tilespmem:$0x3C0];
	vm7 =	vne.s32 v48, v49;
	vm0 =	vmor vm0, vm6  }
0x101: {  	v61 =	vld [tilespmem:$0x3E0];
	vm8 =	vne.s32 v50, v51;
	vm0 =	vmor vm0, vm7  }
0x102: {  	v62 =	vld [tilespmem:$0x1F0];
	vm9 =	vne.s32 v52, v53;
	vm0 =	vmor vm0, vm8  }
0x103: {  	v63 =	vld [tilespmem:$0x3F0];
	vm10 =	vne.s32 v54, v55;
	vm0 =	vmor vm0, vm9  }
0x104: {  	vm11 =	vne.s32 v56, v57;
	vm0 =	vmor vm0, vm10  }
0x105: {  	vm12 =	vne.s32 v2, v3;
	vm0 =	vmor vm0, vm11  }
0x106: {  	vm13 =	vne.s32 v58, v59;
	vm0 =	vmor vm0, vm12  }
0x107: {  	vm14 =	vne.s32 v60, v61;
	vm0 =	vmor vm0, vm13  }
0x108: {  	vm15 =	vne.s32 v62, v63;
	vm0 =	vmor vm0, vm14  }
0x109: {  	vm0 =	vmor vm0, vm15  }
0x10a: {  	v2 =	vsel vm0, $0x1, v1  }
0x10b: {  	v2 =	vor.u32 $0x80000000, v2  }
0x10c: {  	(xrf0) =	vmax.scan.msk.u32 $0xffff, v2;
	_ =	sdelay $0x5  }
0x10d: {  	v2, _, _ =	vpop (xrf0)  }
0x10e: {  	(v2sf) =	vpush v2, $0xF;
	_ =	sdelay $0xe  }
0x10f: {  	s18 =	spop (v2sf)  }
0x110: {  	p0 =	sne.s32 s18, $0x80000000  }
.Ltmp3:
0x111: {  	_ = 	snop;
	(pc) =	sbr.rel @p0 .LBB2_2-.Ltmp3, $1  }
0x112: {  	_ =	sdelay $0x3  }
.Ltmp4:
0x113: {  	_ = 	snop;
	(pc) =	sbr.rel .LBB2_3-.Ltmp4, $1  }
0x114: {  	_ =	sdelay $0x3  }
.LBB2_4:
0x115: {  	_ =	sfence.sel $0x180000  }
0x116: {  	[bflag:$0x0] =	sbarrier.arrive $0xFFFF  }
0x117: {  	p0 =	sne.s32 s1, $0x0;
	_ =	strace $0x90000047  }
0x118: {  	s0 =	sadd.s32 @!p0 $0x100000, s0;
	[bflag:$0x2] =	sbarrier.arrive $0xFFFF  }
0x119: {  	[sflag:s0] =	ssyncadd.tile.s32 @!p0 $0x1;
	_ =	shalt  }
.Lfunc_end2:
_tile_overlayer_lowered:
.L_overlay_start_2:
0x11a: {  	(tag) =	ssettag $0x2  }
0x11b: {  	s0 =	rddreg [dreg:$0x0];
	s2 =	stileid.u32  }
0x11c: {  	s1 =	rddreg [dreg:$0x1];
	p0 =	sne.s32 s2, $0x0  }
0x11d: {  	s3 =	rddreg [dreg:$0x2];
	[bflag:$0x3] =	sbarrier.arrive $0xFFFF;
	s2 =	simm.s32 @!p0 $0x1C02  }
0x11e: {  	[timem:s3], [sflag:s2] =	dma.local @!p0 [hbm:s0], s1  }
0x11f: {  	s0 =	simm.s32 @!p0 $0x2  }
0x120: {  	_ =	swait.ge @!p0 [sflag:s0], s1  }
0x121: {  	s1 =	ssub.s32 @!p0 $0x0, s1;
	[sflag:s0] =	ssyncset.done @!p0 $0x0  }
0x122: {  	[sflag:s0] =	ssyncadd.s32 @!p0 s1  }
0x123: {  	[bflag:$0x3] =	sbarrier.arrive $0xFFFF  }
0x124: {  	_ =	shalt  }

</sc_bundles>
